<compile_context>
chip_gen: v7x
topology: tpu7x:2x2x1
jax: 0.10.2.dev20260603
libtpu: 0.0.44.dev20260713+nightly
codegen_flags: <defaults>
</compile_context>

<pallas_src>
import functools

import jax
import jax.numpy as jnp
from jax import lax
from jax.experimental import pallas as pl
from jax.experimental.pallas import tpu as pltpu
from jax.experimental.pallas import tpu_sc as plsc

N_TOK_BLK = 8
TOK_BLK = 1024
TOK_A = 1024
N_CODE_BLK = 8
CODE_BLK = 1024
N_E = 8192
E_DIM = 32
BETA = 0.25
BIG_I32 = 2**30


def _row_sum32(x):
    a, b, c, d = x[:, 0:8], x[:, 8:16], x[:, 16:24], x[:, 24:32]
    y = ((a + b) + c) + d
    y = y[:, :4] + y[:, 4:8]
    y = y[:, :2] + y[:, 2:4]
    return y[:, 0:1] + y[:, 1:2]


TSUB = 128


def _fused_body(z_ref, et_ref, idx_ref, oh_ref, cnt_ref, acc_v, acc_i,
                half_v, half_i, s1_s, s2_s, idx_tok):
    t = pl.program_id(0)
    c = pl.program_id(1)
    ca = jax.lax.rem(c, N_CODE_BLK)
    zb = z_ref[0]
    z16 = zb.astype(jnp.bfloat16).astype(jnp.float32)

    @pl.when(c == 0)
    def _s1():
        s1_s[...] = _row_sum32(zb * zb)

    @pl.when((t == 0) & (c == 0))
    def _s2():
        x = et_ref[...]
        x = x * x
        y = ((x[0:8, :] + x[8:16, :]) + x[16:24, :]) + x[24:32, :]
        y = y[0:4, :] + y[4:8, :]
        y = y[0:2, :] + y[2:4, :]
        s2_s[...] = y[0:1, :] + y[1:2, :]

    @pl.when(c < N_CODE_BLK)
    def _argmin_phase():
        s1 = s1_s[...]
        s2 = s2_s[0, pl.ds(ca * CODE_BLK, CODE_BLK)]
        etb = et_ref[:, pl.ds(ca * CODE_BLK, CODE_BLK)]
        m2 = jax.lax.dot_general(2.0 * z16, etb, (((1,), (0,)), ((), ())),
                                 preferred_element_type=jnp.float32)

        half_start = (ca == 0) | (ca == N_CODE_BLK // 2)
        lane = jax.lax.broadcasted_iota(jnp.int32, (TSUB, 128), 1)

        for ts in range(TOK_A // TSUB):
            t0, t1 = ts * TSUB, (ts + 1) * TSUB
            s1t = s1[t0:t1]
            av = acc_v[t0:t1, :]
            ai = acc_i[t0:t1, :]
            for k in range(CODE_BLK // 128):
                c0, c1 = k * 128, (k + 1) * 128
                dk = (s1t + s2[c0:c1][None, :]) - m2[t0:t1, c0:c1]
                gidx = (lane + k * 128) + ca * CODE_BLK
                if k == 0:
                    better = (dk < av) | (half_start & (k == 0))
                else:
                    better = dk < av
                av = jnp.where(better, dk, av)
                ai = jnp.where(better, gidx, ai)
            acc_v[t0:t1, :] = av
            acc_i[t0:t1, :] = ai

        @pl.when((c == N_CODE_BLK // 2 - 1) | (c == N_CODE_BLK - 1))
        def _half_reduce():
            av = acc_v[...]
            ai = acc_i[...]
            hv = jnp.min(av, axis=1)
            hi = jnp.min(jnp.where(av == hv[:, None], ai, BIG_I32), axis=1)

            @pl.when(c == N_CODE_BLK // 2 - 1)
            def _stash():
                half_v[...] = hv
                half_i[...] = hi

            @pl.when(c == N_CODE_BLK - 1)
            def _emit():
                va16 = half_v[...].astype(jnp.bfloat16).astype(jnp.float32)
                take_b = hv < va16
                final = jnp.where(take_b, hi, half_i[...])
                idx_ref[0, 0, :] = final
                idx_tok[...] = final
                iota = jax.lax.broadcasted_iota(
                    jnp.int32, (TOK_A, CODE_BLK), 1)
                oh = (final[:, None] ==
                      (iota + (N_CODE_BLK - 1) * CODE_BLK)
                      ).astype(jnp.float32)
                oh_ref[...] = oh
                colsum = jnp.sum(oh, axis=0)

                @pl.when(t == 0)
                def _ci():
                    cnt_ref[N_CODE_BLK - 1, :] = colsum

                @pl.when(t > 0)
                def _ca():
                    cnt_ref[N_CODE_BLK - 1, :] = (
                        cnt_ref[N_CODE_BLK - 1, :] + colsum)

    @pl.when(c >= N_CODE_BLK)
    def _emit_phase():
        idxv = idx_tok[...]
        iota = jax.lax.broadcasted_iota(jnp.int32, (TOK_A, CODE_BLK), 1)
        oh = (idxv[:, None] == (iota + ca * CODE_BLK)).astype(jnp.float32)
        oh_ref[...] = oh
        colsum = jnp.sum(oh, axis=0)

        @pl.when(t == 0)
        def _cnt_init():
            cnt_ref[ca, :] = colsum

        @pl.when(t > 0)
        def _cnt_acc():
            cnt_ref[ca, :] = cnt_ref[ca, :] + colsum


SC_NW = 32
SC_CHUNK = 128
SC_PER_W = N_E // SC_NW


SC_ROW = 128


def _sc_gather_zq(embedding_weight, idx_flat):
    table = jnp.pad(embedding_weight, ((0, 0), (0, SC_ROW - E_DIM)))
    mesh = plsc.VectorSubcoreMesh(core_axis_name="c", subcore_axis_name="s")

    @functools.partial(
        pl.kernel, mesh=mesh,
        out_type=jax.ShapeDtypeStruct((N_E, SC_ROW), jnp.float32),
        scratch_types=[
            pltpu.VMEM((SC_CHUNK,), jnp.int32),
            pltpu.VMEM((SC_CHUNK, SC_ROW), jnp.float32),
            pltpu.SemaphoreType.DMA,
        ],
    )
    def k(table_hbm, idx_hbm, out_hbm, idx_v, rows_v, sem):
        wid = lax.axis_index("s") * 2 + lax.axis_index("c")
        base = wid * SC_PER_W
        for j in range(SC_PER_W // SC_CHUNK):
            off = base + j * SC_CHUNK
            pltpu.sync_copy(idx_hbm.at[pl.ds(off, SC_CHUNK)], idx_v)
            pltpu.async_copy(table_hbm.at[idx_v], rows_v, sem).wait()
            pltpu.sync_copy(rows_v, out_hbm.at[pl.ds(off, SC_CHUNK)])

    return k(table, idx_flat)[:, :E_DIM]


def _final_body(z_ref, zq_in_ref, cnt_ref, zq_ref, loss_ref, perp_ref):
    zb = z_ref[...]
    zq = zq_in_ref[...]
    zq_ref[...] = zb + (zq - zb)
    diff2 = (zq - zb) ** 2
    tot = jnp.sum(diff2.reshape(N_TOK_BLK * TOK_BLK, E_DIM),
                  axis=(0, 1), keepdims=True)
    n_elem = jnp.float32(N_TOK_BLK * TOK_BLK * E_DIM)
    mse = tot / n_elem
    loss_ref[...] = mse + BETA * mse
    e_mean = cnt_ref[...] * jnp.float32(1.0 / (N_TOK_BLK * TOK_BLK))
    ent = jnp.sum(e_mean * jnp.log(e_mean + 1e-10), axis=(0, 1),
                  keepdims=True)
    perp_ref[...] = jnp.exp(-ent)


@functools.partial(jax.jit, static_argnames=("interpret",))
def kernel(z, embedding_weight, interpret=False):
    def _oh_index(t, c):
        q = c // N_CODE_BLK
        return (t, q * (c - N_CODE_BLK) + (1 - q) * (N_CODE_BLK - 1))

    idx3, oh, cnt = pl.pallas_call(
        _fused_body,
        grid=(N_TOK_BLK, 2 * N_CODE_BLK - 1),
        in_specs=[
            pl.BlockSpec((1, TOK_A, E_DIM), lambda t, c: (t, 0, 0)),
            pl.BlockSpec((E_DIM, N_E), lambda t, c: (0, 0)),
        ],
        out_specs=[
            pl.BlockSpec((1, 1, TOK_A), lambda t, c: (t, 0, 0)),
            pl.BlockSpec((TOK_BLK, CODE_BLK), _oh_index),
            pl.BlockSpec((N_CODE_BLK, CODE_BLK), lambda t, c: (0, 0)),
        ],
        out_shape=[
            jax.ShapeDtypeStruct((N_TOK_BLK, 1, TOK_BLK), jnp.int32),
            jax.ShapeDtypeStruct((N_TOK_BLK * TOK_BLK, N_E), jnp.float32),
            jax.ShapeDtypeStruct((N_CODE_BLK, CODE_BLK), jnp.float32),
        ],
        scratch_shapes=[
            pltpu.VMEM((TOK_A, 128), jnp.float32),
            pltpu.VMEM((TOK_A, 128), jnp.int32),
            pltpu.VMEM((TOK_A,), jnp.float32),
            pltpu.VMEM((TOK_A,), jnp.int32),
            pltpu.VMEM((TOK_A, 1), jnp.float32),
            pltpu.VMEM((1, N_E), jnp.float32),
            pltpu.VMEM((TOK_A,), jnp.int32),
        ],
        interpret=interpret,
    )(z, embedding_weight.T)

    idx_flat = idx3.reshape(N_E)
    zq_sc = _sc_gather_zq(embedding_weight, idx_flat)
    zq_sc3 = zq_sc.reshape(N_TOK_BLK, TOK_BLK, E_DIM)

    zq_st, loss, perp = pl.pallas_call(
        _final_body,
        out_shape=[
            jax.ShapeDtypeStruct((N_TOK_BLK, TOK_BLK, E_DIM), jnp.float32),
            jax.ShapeDtypeStruct((1, 1), jnp.float32),
            jax.ShapeDtypeStruct((1, 1), jnp.float32),
        ],
        interpret=interpret,
    )(z, zq_sc3, cnt)

    min_encoding_indices = idx3.reshape(N_TOK_BLK * TOK_BLK, 1)
    return (loss.reshape(()), zq_st, perp.reshape(()),
            oh, min_encoding_indices)

# --- scband reference (transcript-rebuilt; emitter-appended) ---
"""Pipeline reference for scband-vector-quantizer-76235669504494 (READ-ONLY COPY).

The authoritative reference and input builder live on the scoring server;
editing this copy changes nothing except your own understanding.
"""

import jax, jax.numpy as jnp
import numpy as np

N_E = 8192
E_DIM = 32
BETA = 0.25

def setup_inputs(seed: int = 0) -> dict:
    key = jax.random.key(seed)
    k1, k2 = jax.random.split(key)
    z = jax.random.normal(k1, (8, 1024, E_DIM), dtype=jnp.float32)
    embedding_weight = jax.random.uniform(k2, (N_E, E_DIM), dtype=jnp.float32, minval=-1.0 / N_E, maxval=1.0 / N_E)
    return {"z": z, "embedding_weight": embedding_weight}

def reference(z, embedding_weight):
    n_e, e_dim = embedding_weight.shape
    z_flattened = z.reshape((-1, e_dim))
    d = (jnp.sum(z_flattened ** 2, axis=1, keepdims=True)
         + jnp.sum(embedding_weight ** 2, axis=1)
         - 2.0 * jnp.matmul(z_flattened, embedding_weight.T))
    min_encoding_indices = jnp.argmin(d, axis=1)[:, None]
    n_tok = z_flattened.shape[0]
    min_encodings = jnp.zeros((n_tok, n_e), dtype=z.dtype).at[jnp.arange(n_tok), min_encoding_indices[:, 0]].set(1.0)
    z_q = jnp.matmul(min_encodings, embedding_weight).reshape(z.shape)
    loss = (jnp.mean((jax.lax.stop_gradient(z_q) - z) ** 2)
            + BETA * jnp.mean((z_q - jax.lax.stop_gradient(z)) ** 2))
    z_q_st = z + jax.lax.stop_gradient(z_q - z)
    e_mean = jnp.mean(min_encodings, axis=0)
    perplexity = jnp.exp(-jnp.sum(e_mean * jnp.log(e_mean + 1e-10)))
    return (loss, z_q_st, perplexity, min_encodings, min_encoding_indices)

if __name__ == "__main__":
    import jax
    _d = setup_inputs()
    print(jax.jit(kernel)(*tuple(_d.values())))

</pallas_src>

<mosaic_0001>
#map = affine_map<(d0, d1) -> (0, 0)>
#map1 = affine_map<(d0, d1) -> (0)>
module attributes {stable_mosaic.version = 14 : i64} {
  func.func @k(%arg0: i32, %arg1: i32, %arg2: memref<8192x128xf32, #tpu.memory_space<hbm>>, %arg3: memref<8192xi32, #tpu.memory_space<hbm>>, %arg4: memref<8192x128xf32, #tpu.memory_space<hbm>>, %arg5: memref<128xi32, #tpu.memory_space<vmem>>, %arg6: memref<128x128xf32, #tpu.memory_space<vmem>>, %arg7: memref<!tpu.dma_semaphore, #tpu.memory_space<semaphore_mem>>) attributes {dimension_semantics = [#tpu.dimension_semantics<core_parallel>, #tpu.dimension_semantics<subcore_parallel>], iteration_bounds = array<i64: 2, 16>, scalar_prefetch = 0 : i64, scratch_operands = 3 : i64, tpu.core_type = #tpu.core_type<sc_vector_subcore>, window_params = [{transform_indices = #map}, {transform_indices = #map1}, {transform_indices = #map}]} {
    %mul3A = arith.constant 2 : i32
    %mul3A_0 = arith.muli %arg1, %mul3A : i32
    %add3A = arith.addi %mul3A_0, %arg0 : i32
    %mul3A_1 = arith.constant 256 : i32
    %mul3A_2 = arith.muli %add3A, %mul3A_1 : i32
    %add3A_3 = arith.constant 0 : i32
    %add3A_4 = arith.addi %mul3A_2, %add3A_3 : i32
    "tpu.region"() ({
      %run_scoped3A = tpu.sem_alloc : memref<!tpu.dma_semaphore, #tpu.memory_space<semaphore_mem>>
      %dma_start3A_17 = tpu.memref_slice %arg3[%add3A_4] : memref<8192xi32, #tpu.memory_space<hbm>> -> memref<128xi32, #tpu.memory_space<hbm>>
      %dma_start3A_18 = tpu.memref_slice %arg3[%add3A_4] : memref<8192xi32, #tpu.memory_space<hbm>> -> memref<128xi32, #tpu.memory_space<hbm>>
      tpu.enqueue_dma source(%dma_start3A_18 : memref<128xi32, #tpu.memory_space<hbm>>) target(%arg5 : memref<128xi32, #tpu.memory_space<vmem>>) target_semaphore(%run_scoped3A : memref<!tpu.dma_semaphore, #tpu.memory_space<semaphore_mem>>)
      %dma_wait3A_19 = tpu.memref_slice %arg3[%add3A_4] : memref<8192xi32, #tpu.memory_space<hbm>> -> memref<128xi32, #tpu.memory_space<hbm>>
      %dma_wait3A_20 = tpu.memref_slice %arg3[%add3A_4] : memref<8192xi32, #tpu.memory_space<hbm>> -> memref<128xi32, #tpu.memory_space<hbm>>
      tpu.wait_dma2 semaphore(%run_scoped3A : memref<!tpu.dma_semaphore, #tpu.memory_space<semaphore_mem>>) src(%dma_wait3A_20 : memref<128xi32, #tpu.memory_space<hbm>>) dst(%arg5 : memref<128xi32, #tpu.memory_space<vmem>>)
      tpu.yield
    }) : () -> ()
    %dma_start3A = arith.constant 0 : i32
    %dma_start3A_5 = arith.constant 0 : i32
    %dma_start3A_6 = tpu.memref_slice %arg2[%dma_start3A, %dma_start3A_5] : memref<8192x128xf32, #tpu.memory_space<hbm>> -> memref<8192x128xf32, #tpu.memory_space<hbm>>
    tpu.enqueue_indirect_dma source(%dma_start3A_6 : memref<8192x128xf32, #tpu.memory_space<hbm>>) target(%arg6 : memref<128x128xf32, #tpu.memory_space<vmem>>) offsets(%arg5 : memref<128xi32, #tpu.memory_space<vmem>>) semaphore(%arg7 : memref<!tpu.dma_semaphore, #tpu.memory_space<semaphore_mem>>)
    %dma_wait3A = arith.constant 0 : i32
    %dma_wait3A_7 = arith.constant 0 : i32
    %dma_wait3A_8 = tpu.memref_slice %arg2[%dma_wait3A, %dma_wait3A_7] : memref<8192x128xf32, #tpu.memory_space<hbm>> -> memref<8192x128xf32, #tpu.memory_space<hbm>>
    tpu.wait_indirect_dma semaphore(%arg7 : memref<!tpu.dma_semaphore, #tpu.memory_space<semaphore_mem>>) src(%dma_wait3A_8 : memref<8192x128xf32, #tpu.memory_space<hbm>>) dst(%arg6 : memref<128x128xf32, #tpu.memory_space<vmem>>)
    "tpu.region"() ({
      %run_scoped3A = tpu.sem_alloc : memref<!tpu.dma_semaphore, #tpu.memory_space<semaphore_mem>>
      %dma_start3A_17 = arith.constant 0 : i32
      %dma_start3A_18 = tpu.memref_slice %arg4[%add3A_4, %dma_start3A_17] : memref<8192x128xf32, #tpu.memory_space<hbm>> -> memref<128x128xf32, #tpu.memory_space<hbm>>
      %dma_start3A_19 = arith.constant 0 : i32
      %dma_start3A_20 = tpu.memref_slice %arg4[%add3A_4, %dma_start3A_19] : memref<8192x128xf32, #tpu.memory_space<hbm>> -> memref<128x128xf32, #tpu.memory_space<hbm>>
      tpu.enqueue_dma source(%arg6 : memref<128x128xf32, #tpu.memory_space<vmem>>) target(%dma_start3A_20 : memref<128x128xf32, #tpu.memory_space<hbm>>) target_semaphore(%run_scoped3A : memref<!tpu.dma_semaphore, #tpu.memory_space<semaphore_mem>>)
      %dma_wait3A_21 = arith.constant 0 : i32
      %dma_wait3A_22 = tpu.memref_slice %arg4[%add3A_4, %dma_wait3A_21] : memref<8192x128xf32, #tpu.memory_space<hbm>> -> memref<128x128xf32, #tpu.memory_space<hbm>>
      %dma_wait3A_23 = arith.constant 0 : i32
      %dma_wait3A_24 = tpu.memref_slice %arg4[%add3A_4, %dma_wait3A_23] : memref<8192x128xf32, #tpu.memory_space<hbm>> -> memref<128x128xf32, #tpu.memory_space<hbm>>
      tpu.wait_dma2 semaphore(%run_scoped3A : memref<!tpu.dma_semaphore, #tpu.memory_space<semaphore_mem>>) src(%arg6 : memref<128x128xf32, #tpu.memory_space<vmem>>) dst(%dma_wait3A_24 : memref<128x128xf32, #tpu.memory_space<hbm>>)
      tpu.yield
    }) : () -> ()
    %add3A_9 = arith.constant 128 : i32
    %add3A_10 = arith.addi %mul3A_2, %add3A_9 : i32
    "tpu.region"() ({
      %run_scoped3A = tpu.sem_alloc : memref<!tpu.dma_semaphore, #tpu.memory_space<semaphore_mem>>
      %dma_start3A_17 = tpu.memref_slice %arg3[%add3A_10] : memref<8192xi32, #tpu.memory_space<hbm>> -> memref<128xi32, #tpu.memory_space<hbm>>
      %dma_start3A_18 = tpu.memref_slice %arg3[%add3A_10] : memref<8192xi32, #tpu.memory_space<hbm>> -> memref<128xi32, #tpu.memory_space<hbm>>
      tpu.enqueue_dma source(%dma_start3A_18 : memref<128xi32, #tpu.memory_space<hbm>>) target(%arg5 : memref<128xi32, #tpu.memory_space<vmem>>) target_semaphore(%run_scoped3A : memref<!tpu.dma_semaphore, #tpu.memory_space<semaphore_mem>>)
      %dma_wait3A_19 = tpu.memref_slice %arg3[%add3A_10] : memref<8192xi32, #tpu.memory_space<hbm>> -> memref<128xi32, #tpu.memory_space<hbm>>
      %dma_wait3A_20 = tpu.memref_slice %arg3[%add3A_10] : memref<8192xi32, #tpu.memory_space<hbm>> -> memref<128xi32, #tpu.memory_space<hbm>>
      tpu.wait_dma2 semaphore(%run_scoped3A : memref<!tpu.dma_semaphore, #tpu.memory_space<semaphore_mem>>) src(%dma_wait3A_20 : memref<128xi32, #tpu.memory_space<hbm>>) dst(%arg5 : memref<128xi32, #tpu.memory_space<vmem>>)
      tpu.yield
    }) : () -> ()
    %dma_start3A_11 = arith.constant 0 : i32
    %dma_start3A_12 = arith.constant 0 : i32
    %dma_start3A_13 = tpu.memref_slice %arg2[%dma_start3A_11, %dma_start3A_12] : memref<8192x128xf32, #tpu.memory_space<hbm>> -> memref<8192x128xf32, #tpu.memory_space<hbm>>
    tpu.enqueue_indirect_dma source(%dma_start3A_13 : memref<8192x128xf32, #tpu.memory_space<hbm>>) target(%arg6 : memref<128x128xf32, #tpu.memory_space<vmem>>) offsets(%arg5 : memref<128xi32, #tpu.memory_space<vmem>>) semaphore(%arg7 : memref<!tpu.dma_semaphore, #tpu.memory_space<semaphore_mem>>)
    %dma_wait3A_14 = arith.constant 0 : i32
    %dma_wait3A_15 = arith.constant 0 : i32
    %dma_wait3A_16 = tpu.memref_slice %arg2[%dma_wait3A_14, %dma_wait3A_15] : memref<8192x128xf32, #tpu.memory_space<hbm>> -> memref<8192x128xf32, #tpu.memory_space<hbm>>
    tpu.wait_indirect_dma semaphore(%arg7 : memref<!tpu.dma_semaphore, #tpu.memory_space<semaphore_mem>>) src(%dma_wait3A_16 : memref<8192x128xf32, #tpu.memory_space<hbm>>) dst(%arg6 : memref<128x128xf32, #tpu.memory_space<vmem>>)
    "tpu.region"() ({
      %run_scoped3A = tpu.sem_alloc : memref<!tpu.dma_semaphore, #tpu.memory_space<semaphore_mem>>
      %dma_start3A_17 = arith.constant 0 : i32
      %dma_start3A_18 = tpu.memref_slice %arg4[%add3A_10, %dma_start3A_17] : memref<8192x128xf32, #tpu.memory_space<hbm>> -> memref<128x128xf32, #tpu.memory_space<hbm>>
      %dma_start3A_19 = arith.constant 0 : i32
      %dma_start3A_20 = tpu.memref_slice %arg4[%add3A_10, %dma_start3A_19] : memref<8192x128xf32, #tpu.memory_space<hbm>> -> memref<128x128xf32, #tpu.memory_space<hbm>>
      tpu.enqueue_dma source(%arg6 : memref<128x128xf32, #tpu.memory_space<vmem>>) target(%dma_start3A_20 : memref<128x128xf32, #tpu.memory_space<hbm>>) target_semaphore(%run_scoped3A : memref<!tpu.dma_semaphore, #tpu.memory_space<semaphore_mem>>)
      %dma_wait3A_21 = arith.constant 0 : i32
      %dma_wait3A_22 = tpu.memref_slice %arg4[%add3A_10, %dma_wait3A_21] : memref<8192x128xf32, #tpu.memory_space<hbm>> -> memref<128x128xf32, #tpu.memory_space<hbm>>
      %dma_wait3A_23 = arith.constant 0 : i32
      %dma_wait3A_24 = tpu.memref_slice %arg4[%add3A_10, %dma_wait3A_23] : memref<8192x128xf32, #tpu.memory_space<hbm>> -> memref<128x128xf32, #tpu.memory_space<hbm>>
      tpu.wait_dma2 semaphore(%run_scoped3A : memref<!tpu.dma_semaphore, #tpu.memory_space<semaphore_mem>>) src(%arg6 : memref<128x128xf32, #tpu.memory_space<vmem>>) dst(%dma_wait3A_24 : memref<128x128xf32, #tpu.memory_space<hbm>>)
      tpu.yield
    }) : () -> ()
    return
  }
}

module attributes {stable_mosaic.version = 14 : i64} {
  func.func @_fused_body(%arg0: i32, %arg1: i32, %arg2: memref<1x1024x32xf32, #tpu.memory_space<vmem>>, %arg3: memref<32x8192xf32, #tpu.memory_space<vmem>>, %arg4: memref<1x1x1024xi32, #tpu.memory_space<vmem>>, %arg5: memref<1024x1024xf32, #tpu.memory_space<vmem>>, %arg6: memref<8x1024xf32, #tpu.memory_space<vmem>>, %arg7: memref<1024x128xf32, #tpu.memory_space<vmem>>, %arg8: memref<1024x128xi32, #tpu.memory_space<vmem>>, %arg9: memref<1024xf32, #tpu.memory_space<vmem>>, %arg10: memref<1024xi32, #tpu.memory_space<vmem>>, %arg11: memref<1024x1xf32, #tpu.memory_space<vmem>>, %arg12: memref<1x8192xf32, #tpu.memory_space<vmem>>, %arg13: memref<1024xi32, #tpu.memory_space<vmem>>) attributes {dimension_semantics = [#tpu.dimension_semantics<arbitrary>, #tpu.dimension_semantics<arbitrary>], iteration_bounds = array<i64: 8, 15>, scalar_prefetch = 0 : i64, scratch_operands = 7 : i64, tpu.core_type = #tpu.core_type<tc>, window_params = [{transform_indices = @transform_0, window_bounds = array<i64: 1, 1024, 32>}, {pipeline_mode = #tpu.pipeline_mode<synchronous>, transform_indices = @transform_1, window_bounds = array<i64: 32, 8192>}, {transform_indices = @transform_2, window_bounds = array<i64: 1, 1, 1024>}, {transform_indices = @transform_3, window_bounds = array<i64: 1024, 1024>}, {pipeline_mode = #tpu.pipeline_mode<synchronous>, transform_indices = @transform_4, window_bounds = array<i64: 8, 1024>}]} {
    %rem3A = arith.constant 8 : i32
    %rem3A_0 = arith.remsi %arg1, %rem3A : i32
    %get3A = arith.constant 0 : index
    %get3A_1 = arith.constant 0 : index
    %get3A_2 = arith.constant 0 : index
    %get3A_3 = vector.load %arg2[%get3A, %get3A_1, %get3A_2] : memref<1x1024x32xf32, #tpu.memory_space<vmem>>, vector<1x1024x32xf32>
    %get3A_4 = vector.shape_cast %get3A_3 : vector<1x1024x32xf32> to vector<1024x32xf32>
    %convert_element_type3A = arith.truncf %get3A_4 : vector<1024x32xf32> to vector<1024x32xbf16>
    %convert_element_type3A_5 = arith.extf %convert_element_type3A : vector<1024x32xbf16> to vector<1024x32xf32>
    %eq3A = arith.constant 0 : i32
    %eq3A_6 = arith.cmpi eq, %arg1, %eq3A : i32
    %convert_element_type3A_7 = arith.extui %eq3A_6 : i1 to i32
    %cond3A = arith.constant 0 : i32
    %cond3A_8 = arith.cmpi ne, %convert_element_type3A_7, %cond3A : i32
    scf.if %cond3A_8 {
      %mul3A = arith.mulf %get3A_4, %get3A_4 : vector<1024x32xf32>
      %slice3A = vector.extract_strided_slice %mul3A {offsets = [0, 0], sizes = [1024, 8], strides = [1, 1]} : vector<1024x32xf32> to vector<1024x8xf32>
      %slice3A_24 = vector.extract_strided_slice %mul3A {offsets = [0, 8], sizes = [1024, 8], strides = [1, 1]} : vector<1024x32xf32> to vector<1024x8xf32>
      %slice3A_25 = vector.extract_strided_slice %mul3A {offsets = [0, 16], sizes = [1024, 8], strides = [1, 1]} : vector<1024x32xf32> to vector<1024x8xf32>
      %slice3A_26 = vector.extract_strided_slice %mul3A {offsets = [0, 24], sizes = [1024, 8], strides = [1, 1]} : vector<1024x32xf32> to vector<1024x8xf32>
      %add3A = arith.addf %slice3A, %slice3A_24 : vector<1024x8xf32>
      %add3A_27 = arith.addf %add3A, %slice3A_25 : vector<1024x8xf32>
      %add3A_28 = arith.addf %add3A_27, %slice3A_26 : vector<1024x8xf32>
      %slice3A_29 = vector.extract_strided_slice %add3A_28 {offsets = [0, 0], sizes = [1024, 4], strides = [1, 1]} : vector<1024x8xf32> to vector<1024x4xf32>
      %slice3A_30 = vector.extract_strided_slice %add3A_28 {offsets = [0, 4], sizes = [1024, 4], strides = [1, 1]} : vector<1024x8xf32> to vector<1024x4xf32>
      %add3A_31 = arith.addf %slice3A_29, %slice3A_30 : vector<1024x4xf32>
      %slice3A_32 = vector.extract_strided_slice %add3A_31 {offsets = [0, 0], sizes = [1024, 2], strides = [1, 1]} : vector<1024x4xf32> to vector<1024x2xf32>
      %slice3A_33 = vector.extract_strided_slice %add3A_31 {offsets = [0, 2], sizes = [1024, 2], strides = [1, 1]} : vector<1024x4xf32> to vector<1024x2xf32>
      %add3A_34 = arith.addf %slice3A_32, %slice3A_33 : vector<1024x2xf32>
      %slice3A_35 = vector.extract_strided_slice %add3A_34 {offsets = [0, 0], sizes = [1024, 1], strides = [1, 1]} : vector<1024x2xf32> to vector<1024x1xf32>
      %slice3A_36 = vector.extract_strided_slice %add3A_34 {offsets = [0, 1], sizes = [1024, 1], strides = [1, 1]} : vector<1024x2xf32> to vector<1024x1xf32>
      %add3A_37 = arith.addf %slice3A_35, %slice3A_36 : vector<1024x1xf32>
      %swap3A = arith.constant 0 : index
      %swap3A_38 = arith.constant 0 : index
      %swap3A_39 = vector.load %arg11[%swap3A, %swap3A_38] : memref<1024x1xf32, #tpu.memory_space<vmem>>, vector<1024x1xf32>
      tpu.vector_store %arg11[%swap3A, %swap3A_38], %add3A_37 {strides = array<i32>} : memref<1024x1xf32, #tpu.memory_space<vmem>>, vector<1024x1xf32>,
    } else {
    }
    %eq3A_9 = arith.constant 0 : i32
    %eq3A_10 = arith.cmpi eq, %arg0, %eq3A_9 : i32
    %eq3A_11 = arith.constant 0 : i32
    %eq3A_12 = arith.cmpi eq, %arg1, %eq3A_11 : i32
    %and3A = arith.andi %eq3A_10, %eq3A_12 : i1
    %convert_element_type3A_13 = arith.extui %and3A : i1 to i32
    %cond3A_14 = arith.constant 0 : i32
    %cond3A_15 = arith.cmpi ne, %convert_element_type3A_13, %cond3A_14 : i32
    scf.if %cond3A_15 {
      %get3A_24 = arith.constant 0 : index
      %get3A_25 = arith.constant 0 : index
      %get3A_26 = vector.load %arg3[%get3A_24, %get3A_25] : memref<32x8192xf32, #tpu.memory_space<vmem>>, vector<32x8192xf32>
      %mul3A = arith.mulf %get3A_26, %get3A_26 : vector<32x8192xf32>
      %slice3A = vector.extract_strided_slice %mul3A {offsets = [0, 0], sizes = [8, 8192], strides = [1, 1]} : vector<32x8192xf32> to vector<8x8192xf32>
      %slice3A_27 = vector.extract_strided_slice %mul3A {offsets = [8, 0], sizes = [8, 8192], strides = [1, 1]} : vector<32x8192xf32> to vector<8x8192xf32>
      %add3A = arith.addf %slice3A, %slice3A_27 : vector<8x8192xf32>
      %slice3A_28 = vector.extract_strided_slice %mul3A {offsets = [16, 0], sizes = [8, 8192], strides = [1, 1]} : vector<32x8192xf32> to vector<8x8192xf32>
      %add3A_29 = arith.addf %add3A, %slice3A_28 : vector<8x8192xf32>
      %slice3A_30 = vector.extract_strided_slice %mul3A {offsets = [24, 0], sizes = [8, 8192], strides = [1, 1]} : vector<32x8192xf32> to vector<8x8192xf32>
      %add3A_31 = arith.addf %add3A_29, %slice3A_30 : vector<8x8192xf32>
      %slice3A_32 = vector.extract_strided_slice %add3A_31 {offsets = [0, 0], sizes = [4, 8192], strides = [1, 1]} : vector<8x8192xf32> to vector<4x8192xf32>
      %slice3A_33 = vector.extract_strided_slice %add3A_31 {offsets = [4, 0], sizes = [4, 8192], strides = [1, 1]} : vector<8x8192xf32> to vector<4x8192xf32>
      %add3A_34 = arith.addf %slice3A_32, %slice3A_33 : vector<4x8192xf32>
      %slice3A_35 = vector.extract_strided_slice %add3A_34 {offsets = [0, 0], sizes = [2, 8192], strides = [1, 1]} : vector<4x8192xf32> to vector<2x8192xf32>
      %slice3A_36 = vector.extract_strided_slice %add3A_34 {offsets = [2, 0], sizes = [2, 8192], strides = [1, 1]} : vector<4x8192xf32> to vector<2x8192xf32>
      %add3A_37 = arith.addf %slice3A_35, %slice3A_36 : vector<2x8192xf32>
      %slice3A_38 = vector.extract_strided_slice %add3A_37 {offsets = [0, 0], sizes = [1, 8192], strides = [1, 1]} : vector<2x8192xf32> to vector<1x8192xf32>
      %slice3A_39 = vector.extract_strided_slice %add3A_37 {offsets = [1, 0], sizes = [1, 8192], strides = [1, 1]} : vector<2x8192xf32> to vector<1x8192xf32>
      %add3A_40 = arith.addf %slice3A_38, %slice3A_39 : vector<1x8192xf32>
      %swap3A = arith.constant 0 : index
      %swap3A_41 = arith.constant 0 : index
      %swap3A_42 = vector.load %arg12[%swap3A, %swap3A_41] : memref<1x8192xf32, #tpu.memory_space<vmem>>, vector<1x8192xf32>
      tpu.vector_store %arg12[%swap3A, %swap3A_41], %add3A_40 {strides = array<i32>} : memref<1x8192xf32, #tpu.memory_space<vmem>>, vector<1x8192xf32>,
    } else {
    }
    %lt3A = arith.constant 8 : i32
    %lt3A_16 = arith.cmpi slt, %arg1, %lt3A : i32
    %convert_element_type3A_17 = arith.extui %lt3A_16 : i1 to i32
    %cond3A_18 = arith.constant 0 : i32
    %cond3A_19 = arith.cmpi ne, %convert_element_type3A_17, %cond3A_18 : i32
    scf.if %cond3A_19 {
      %get3A_24 = arith.constant 0 : index
      %get3A_25 = arith.constant 0 : index
      %get3A_26 = vector.load %arg11[%get3A_24, %get3A_25] : memref<1024x1xf32, #tpu.memory_space<vmem>>, vector<1024x1xf32>
      %mul3A = arith.constant 1024 : i32
      %mul3A_27 = arith.muli %rem3A_0, %mul3A : i32
      %get3A_28 = arith.constant 0 : index
      %get3A_29 = arith.index_cast %mul3A_27 : i32 to index
      %get3A_30 = vector.load %arg12[%get3A_28, %get3A_29] : memref<1x8192xf32, #tpu.memory_space<vmem>>, vector<1x1024xf32>
      %get3A_31 = vector.shape_cast %get3A_30 : vector<1x1024xf32> to vector<1024xf32>
      %mul3A_32 = arith.constant 1024 : i32
      %mul3A_33 = arith.muli %rem3A_0, %mul3A_32 : i32
      %get3A_34 = arith.constant 0 : index
      %get3A_35 = arith.index_cast %mul3A_33 : i32 to index
      %get3A_36 = vector.load %arg3[%get3A_34, %get3A_35] : memref<32x8192xf32, #tpu.memory_space<vmem>>, vector<32x1024xf32>
      %mul3A_37 = arith.constant 2.000000e+00 : f32
      %mul3A_38 = vector.broadcast %mul3A_37 : f32 to vector<1024x32xf32>
      %mul3A_39 = arith.mulf %mul3A_38, %convert_element_type3A_5 : vector<1024x32xf32>
      %dot_general3A = arith.constant dense<0.000000e+00> : vector<1024x1024xf32>
      %dot_general3A_40 = tpu.matmul %mul3A_39, %get3A_36, %dot_general3A {dimension_numbers = #tpu.dot_dimension_numbers<[1], [0], [0], [1], [0, 0, 1, 1], [], []>, transpose_lhs_hint = false} : vector<1024x32xf32>, vector<32x1024xf32>, vector<1024x1024xf32> -> vector<1024x1024xf32>
      %eq3A_41 = arith.constant 0 : i32
      %eq3A_42 = arith.cmpi eq, %rem3A_0, %eq3A_41 : i32
      %eq3A_43 = arith.constant 4 : i32
      %eq3A_44 = arith.cmpi eq, %rem3A_0, %eq3A_43 : i32
      %or3A = arith.ori %eq3A_42, %eq3A_44 : i1
      %iota3A = tpu.iota {dimensions = array<i32: 1>} : vector<128x128xi32>
      %slice3A = vector.extract_strided_slice %get3A_26 {offsets = [0, 0], sizes = [128, 1], strides = [1, 1]} : vector<1024x1xf32> to vector<128x1xf32>
      %get3A_45 = arith.constant 0 : index
      %get3A_46 = arith.constant 0 : index
      %get3A_47 = vector.load %arg7[%get3A_45, %get3A_46] : memref<1024x128xf32, #tpu.memory_space<vmem>>, vector<128x128xf32>
      %get3A_48 = arith.constant 0 : index
      %get3A_49 = arith.constant 0 : index
      %get3A_50 = vector.load %arg8[%get3A_48, %get3A_49] : memref<1024x128xi32, #tpu.memory_space<vmem>>, vector<128x128xi32>
      %slice3A_51 = vector.extract_strided_slice %get3A_31 {offsets = [0], sizes = [128], strides = [1]} : vector<1024xf32> to vector<128xf32>
      %broadcast_in_dim3A = vector.shape_cast %slice3A_51 : vector<128xf32> to vector<1x128xf32>
      %add3A = vector.broadcast %slice3A : vector<128x1xf32> to vector<128x128xf32>
      %add3A_52 = vector.broadcast %broadcast_in_dim3A : vector<1x128xf32> to vector<128x128xf32>
      %add3A_53 = arith.addf %add3A, %add3A_52 : vector<128x128xf32>
      %slice3A_54 = vector.extract_strided_slice %dot_general3A_40 {offsets = [0, 0], sizes = [128, 128], strides = [1, 1]} : vector<1024x1024xf32> to vector<128x128xf32>
      %sub3A = arith.subf %add3A_53, %slice3A_54 : vector<128x128xf32>
      %add3A_55 = arith.constant 0 : i32
      %add3A_56 = vector.broadcast %add3A_55 : i32 to vector<128x128xi32>
      %add3A_57 = arith.addi %iota3A, %add3A_56 : vector<128x128xi32>
      %mul3A_58 = arith.constant 1024 : i32
      %mul3A_59 = arith.muli %rem3A_0, %mul3A_58 : i32
      %add3A_60 = vector.broadcast %mul3A_59 : i32 to vector<128x128xi32>
      %add3A_61 = arith.addi %add3A_57, %add3A_60 : vector<128x128xi32>
      %lt3A_62 = arith.cmpf olt, %sub3A, %get3A_47 : vector<128x128xf32>
      %and3A_63 = arith.constant true
      %and3A_64 = arith.andi %or3A, %and3A_63 : i1
      %or3A_65 = vector.broadcast %and3A_64 : i1 to vector<128x128xi1>
      %or3A_66 = arith.ori %lt3A_62, %or3A_65 : vector<128x128xi1>
      %select_n3A = arith.select %or3A_66, %sub3A, %get3A_47 : vector<128x128xi1>, vector<128x128xf32>
      %select_n3A_67 = arith.select %or3A_66, %add3A_61, %get3A_50 : vector<128x128xi1>, vector<128x128xi32>
      %slice3A_68 = vector.extract_strided_slice %get3A_31 {offsets = [128], sizes = [128], strides = [1]} : vector<1024xf32> to vector<128xf32>
      %broadcast_in_dim3A_69 = vector.shape_cast %slice3A_68 : vector<128xf32> to vector<1x128xf32>
      %add3A_70 = vector.broadcast %slice3A : vector<128x1xf32> to vector<128x128xf32>
      %add3A_71 = vector.broadcast %broadcast_in_dim3A_69 : vector<1x128xf32> to vector<128x128xf32>
      %add3A_72 = arith.addf %add3A_70, %add3A_71 : vector<128x128xf32>
      %slice3A_73 = vector.extract_strided_slice %dot_general3A_40 {offsets = [0, 128], sizes = [128, 128], strides = [1, 1]} : vector<1024x1024xf32> to vector<128x128xf32>
      %sub3A_74 = arith.subf %add3A_72, %slice3A_73 : vector<128x128xf32>
      %add3A_75 = arith.constant 128 : i32
      %add3A_76 = vector.broadcast %add3A_75 : i32 to vector<128x128xi32>
      %add3A_77 = arith.addi %iota3A, %add3A_76 : vector<128x128xi32>
      %mul3A_78 = arith.constant 1024 : i32
      %mul3A_79 = arith.muli %rem3A_0, %mul3A_78 : i32
      %add3A_80 = vector.broadcast %mul3A_79 : i32 to vector<128x128xi32>
      %add3A_81 = arith.addi %add3A_77, %add3A_80 : vector<128x128xi32>
      %lt3A_82 = arith.cmpf olt, %sub3A_74, %select_n3A : vector<128x128xf32>
      %select_n3A_83 = arith.select %lt3A_82, %sub3A_74, %select_n3A : vector<128x128xi1>, vector<128x128xf32>
      %select_n3A_84 = arith.select %lt3A_82, %add3A_81, %select_n3A_67 : vector<128x128xi1>, vector<128x128xi32>
      %slice3A_85 = vector.extract_strided_slice %get3A_31 {offsets = [256], sizes = [128], strides = [1]} : vector<1024xf32> to vector<128xf32>
      %broadcast_in_dim3A_86 = vector.shape_cast %slice3A_85 : vector<128xf32> to vector<1x128xf32>
      %add3A_87 = vector.broadcast %slice3A : vector<128x1xf32> to vector<128x128xf32>
      %add3A_88 = vector.broadcast %broadcast_in_dim3A_86 : vector<1x128xf32> to vector<128x128xf32>
      %add3A_89 = arith.addf %add3A_87, %add3A_88 : vector<128x128xf32>
      %slice3A_90 = vector.extract_strided_slice %dot_general3A_40 {offsets = [0, 256], sizes = [128, 128], strides = [1, 1]} : vector<1024x1024xf32> to vector<128x128xf32>
      %sub3A_91 = arith.subf %add3A_89, %slice3A_90 : vector<128x128xf32>
      %add3A_92 = arith.constant 256 : i32
      %add3A_93 = vector.broadcast %add3A_92 : i32 to vector<128x128xi32>
      %add3A_94 = arith.addi %iota3A, %add3A_93 : vector<128x128xi32>
      %mul3A_95 = arith.constant 1024 : i32
      %mul3A_96 = arith.muli %rem3A_0, %mul3A_95 : i32
      %add3A_97 = vector.broadcast %mul3A_96 : i32 to vector<128x128xi32>
      %add3A_98 = arith.addi %add3A_94, %add3A_97 : vector<128x128xi32>
      %lt3A_99 = arith.cmpf olt, %sub3A_91, %select_n3A_83 : vector<128x128xf32>
      %select_n3A_100 = arith.select %lt3A_99, %sub3A_91, %select_n3A_83 : vector<128x128xi1>, vector<128x128xf32>
      %select_n3A_101 = arith.select %lt3A_99, %add3A_98, %select_n3A_84 : vector<128x128xi1>, vector<128x128xi32>
      %slice3A_102 = vector.extract_strided_slice %get3A_31 {offsets = [384], sizes = [128], strides = [1]} : vector<1024xf32> to vector<128xf32>
      %broadcast_in_dim3A_103 = vector.shape_cast %slice3A_102 : vector<128xf32> to vector<1x128xf32>
      %add3A_104 = vector.broadcast %slice3A : vector<128x1xf32> to vector<128x128xf32>
      %add3A_105 = vector.broadcast %broadcast_in_dim3A_103 : vector<1x128xf32> to vector<128x128xf32>
      %add3A_106 = arith.addf %add3A_104, %add3A_105 : vector<128x128xf32>
      %slice3A_107 = vector.extract_strided_slice %dot_general3A_40 {offsets = [0, 384], sizes = [128, 128], strides = [1, 1]} : vector<1024x1024xf32> to vector<128x128xf32>
      %sub3A_108 = arith.subf %add3A_106, %slice3A_107 : vector<128x128xf32>
      %add3A_109 = arith.constant 384 : i32
      %add3A_110 = vector.broadcast %add3A_109 : i32 to vector<128x128xi32>
      %add3A_111 = arith.addi %iota3A, %add3A_110 : vector<128x128xi32>
      %mul3A_112 = arith.constant 1024 : i32
      %mul3A_113 = arith.muli %rem3A_0, %mul3A_112 : i32
      %add3A_114 = vector.broadcast %mul3A_113 : i32 to vector<128x128xi32>
      %add3A_115 = arith.addi %add3A_111, %add3A_114 : vector<128x128xi32>
      %lt3A_116 = arith.cmpf olt, %sub3A_108, %select_n3A_100 : vector<128x128xf32>
      %select_n3A_117 = arith.select %lt3A_116, %sub3A_108, %select_n3A_100 : vector<128x128xi1>, vector<128x128xf32>
      %select_n3A_118 = arith.select %lt3A_116, %add3A_115, %select_n3A_101 : vector<128x128xi1>, vector<128x128xi32>
      %slice3A_119 = vector.extract_strided_slice %get3A_31 {offsets = [512], sizes = [128], strides = [1]} : vector<1024xf32> to vector<128xf32>
      %broadcast_in_dim3A_120 = vector.shape_cast %slice3A_119 : vector<128xf32> to vector<1x128xf32>
      %add3A_121 = vector.broadcast %slice3A : vector<128x1xf32> to vector<128x128xf32>
      %add3A_122 = vector.broadcast %broadcast_in_dim3A_120 : vector<1x128xf32> to vector<128x128xf32>
      %add3A_123 = arith.addf %add3A_121, %add3A_122 : vector<128x128xf32>
      %slice3A_124 = vector.extract_strided_slice %dot_general3A_40 {offsets = [0, 512], sizes = [128, 128], strides = [1, 1]} : vector<1024x1024xf32> to vector<128x128xf32>
      %sub3A_125 = arith.subf %add3A_123, %slice3A_124 : vector<128x128xf32>
      %add3A_126 = arith.constant 512 : i32
      %add3A_127 = vector.broadcast %add3A_126 : i32 to vector<128x128xi32>
      %add3A_128 = arith.addi %iota3A, %add3A_127 : vector<128x128xi32>
      %mul3A_129 = arith.constant 1024 : i32
      %mul3A_130 = arith.muli %rem3A_0, %mul3A_129 : i32
      %add3A_131 = vector.broadcast %mul3A_130 : i32 to vector<128x128xi32>
      %add3A_132 = arith.addi %add3A_128, %add3A_131 : vector<128x128xi32>
      %lt3A_133 = arith.cmpf olt, %sub3A_125, %select_n3A_117 : vector<128x128xf32>
      %select_n3A_134 = arith.select %lt3A_133, %sub3A_125, %select_n3A_117 : vector<128x128xi1>, vector<128x128xf32>
      %select_n3A_135 = arith.select %lt3A_133, %add3A_132, %select_n3A_118 : vector<128x128xi1>, vector<128x128xi32>
      %slice3A_136 = vector.extract_strided_slice %get3A_31 {offsets = [640], sizes = [128], strides = [1]} : vector<1024xf32> to vector<128xf32>
      %broadcast_in_dim3A_137 = vector.shape_cast %slice3A_136 : vector<128xf32> to vector<1x128xf32>
      %add3A_138 = vector.broadcast %slice3A : vector<128x1xf32> to vector<128x128xf32>
      %add3A_139 = vector.broadcast %broadcast_in_dim3A_137 : vector<1x128xf32> to vector<128x128xf32>
      %add3A_140 = arith.addf %add3A_138, %add3A_139 : vector<128x128xf32>
      %slice3A_141 = vector.extract_strided_slice %dot_general3A_40 {offsets = [0, 640], sizes = [128, 128], strides = [1, 1]} : vector<1024x1024xf32> to vector<128x128xf32>
      %sub3A_142 = arith.subf %add3A_140, %slice3A_141 : vector<128x128xf32>
      %add3A_143 = arith.constant 640 : i32
      %add3A_144 = vector.broadcast %add3A_143 : i32 to vector<128x128xi32>
      %add3A_145 = arith.addi %iota3A, %add3A_144 : vector<128x128xi32>
      %mul3A_146 = arith.constant 1024 : i32
      %mul3A_147 = arith.muli %rem3A_0, %mul3A_146 : i32
      %add3A_148 = vector.broadcast %mul3A_147 : i32 to vector<128x128xi32>
      %add3A_149 = arith.addi %add3A_145, %add3A_148 : vector<128x128xi32>
      %lt3A_150 = arith.cmpf olt, %sub3A_142, %select_n3A_134 : vector<128x128xf32>
      %select_n3A_151 = arith.select %lt3A_150, %sub3A_142, %select_n3A_134 : vector<128x128xi1>, vector<128x128xf32>
      %select_n3A_152 = arith.select %lt3A_150, %add3A_149, %select_n3A_135 : vector<128x128xi1>, vector<128x128xi32>
      %slice3A_153 = vector.extract_strided_slice %get3A_31 {offsets = [768], sizes = [128], strides = [1]} : vector<1024xf32> to vector<128xf32>
      %broadcast_in_dim3A_154 = vector.shape_cast %slice3A_153 : vector<128xf32> to vector<1x128xf32>
      %add3A_155 = vector.broadcast %slice3A : vector<128x1xf32> to vector<128x128xf32>
      %add3A_156 = vector.broadcast %broadcast_in_dim3A_154 : vector<1x128xf32> to vector<128x128xf32>
      %add3A_157 = arith.addf %add3A_155, %add3A_156 : vector<128x128xf32>
      %slice3A_158 = vector.extract_strided_slice %dot_general3A_40 {offsets = [0, 768], sizes = [128, 128], strides = [1, 1]} : vector<1024x1024xf32> to vector<128x128xf32>
      %sub3A_159 = arith.subf %add3A_157, %slice3A_158 : vector<128x128xf32>
      %add3A_160 = arith.constant 768 : i32
      %add3A_161 = vector.broadcast %add3A_160 : i32 to vector<128x128xi32>
      %add3A_162 = arith.addi %iota3A, %add3A_161 : vector<128x128xi32>
      %mul3A_163 = arith.constant 1024 : i32
      %mul3A_164 = arith.muli %rem3A_0, %mul3A_163 : i32
      %add3A_165 = vector.broadcast %mul3A_164 : i32 to vector<128x128xi32>
      %add3A_166 = arith.addi %add3A_162, %add3A_165 : vector<128x128xi32>
      %lt3A_167 = arith.cmpf olt, %sub3A_159, %select_n3A_151 : vector<128x128xf32>
      %select_n3A_168 = arith.select %lt3A_167, %sub3A_159, %select_n3A_151 : vector<128x128xi1>, vector<128x128xf32>
      %select_n3A_169 = arith.select %lt3A_167, %add3A_166, %select_n3A_152 : vector<128x128xi1>, vector<128x128xi32>
      %slice3A_170 = vector.extract_strided_slice %get3A_31 {offsets = [896], sizes = [128], strides = [1]} : vector<1024xf32> to vector<128xf32>
      %broadcast_in_dim3A_171 = vector.shape_cast %slice3A_170 : vector<128xf32> to vector<1x128xf32>
      %add3A_172 = vector.broadcast %slice3A : vector<128x1xf32> to vector<128x128xf32>
      %add3A_173 = vector.broadcast %broadcast_in_dim3A_171 : vector<1x128xf32> to vector<128x128xf32>
      %add3A_174 = arith.addf %add3A_172, %add3A_173 : vector<128x128xf32>
      %slice3A_175 = vector.extract_strided_slice %dot_general3A_40 {offsets = [0, 896], sizes = [128, 128], strides = [1, 1]} : vector<1024x1024xf32> to vector<128x128xf32>
      %sub3A_176 = arith.subf %add3A_174, %slice3A_175 : vector<128x128xf32>
      %add3A_177 = arith.constant 896 : i32
      %add3A_178 = vector.broadcast %add3A_177 : i32 to vector<128x128xi32>
      %add3A_179 = arith.addi %iota3A, %add3A_178 : vector<128x128xi32>
      %mul3A_180 = arith.constant 1024 : i32
      %mul3A_181 = arith.muli %rem3A_0, %mul3A_180 : i32
      %add3A_182 = vector.broadcast %mul3A_181 : i32 to vector<128x128xi32>
      %add3A_183 = arith.addi %add3A_179, %add3A_182 : vector<128x128xi32>
      %lt3A_184 = arith.cmpf olt, %sub3A_176, %select_n3A_168 : vector<128x128xf32>
      %select_n3A_185 = arith.select %lt3A_184, %sub3A_176, %select_n3A_168 : vector<128x128xi1>, vector<128x128xf32>
      %select_n3A_186 = arith.select %lt3A_184, %add3A_183, %select_n3A_169 : vector<128x128xi1>, vector<128x128xi32>
      %swap3A = arith.constant 0 : index
      %swap3A_187 = arith.constant 0 : index
      %swap3A_188 = vector.load %arg7[%swap3A, %swap3A_187] : memref<1024x128xf32, #tpu.memory_space<vmem>>, vector<128x128xf32>
      tpu.vector_store %arg7[%swap3A, %swap3A_187], %select_n3A_185 {strides = array<i32>} : memref<1024x128xf32, #tpu.memory_space<vmem>>, vector<128x128xf32>,
      %swap3A_189 = arith.constant 0 : index
      %swap3A_190 = arith.constant 0 : index
      %swap3A_191 = vector.load %arg8[%swap3A_189, %swap3A_190] : memref<1024x128xi32, #tpu.memory_space<vmem>>, vector<128x128xi32>
      tpu.vector_store %arg8[%swap3A_189, %swap3A_190], %select_n3A_186 {strides = array<i32>} : memref<1024x128xi32, #tpu.memory_space<vmem>>, vector<128x128xi32>,
      %slice3A_192 = vector.extract_strided_slice %get3A_26 {offsets = [128, 0], sizes = [128, 1], strides = [1, 1]} : vector<1024x1xf32> to vector<128x1xf32>
      %get3A_193 = arith.constant 128 : index
      %get3A_194 = arith.constant 0 : index
      %get3A_195 = vector.load %arg7[%get3A_193, %get3A_194] : memref<1024x128xf32, #tpu.memory_space<vmem>>, vector<128x128xf32>
      %get3A_196 = arith.constant 128 : index
      %get3A_197 = arith.constant 0 : index
      %get3A_198 = vector.load %arg8[%get3A_196, %get3A_197] : memref<1024x128xi32, #tpu.memory_space<vmem>>, vector<128x128xi32>
      %slice3A_199 = vector.extract_strided_slice %get3A_31 {offsets = [0], sizes = [128], strides = [1]} : vector<1024xf32> to vector<128xf32>
      %broadcast_in_dim3A_200 = vector.shape_cast %slice3A_199 : vector<128xf32> to vector<1x128xf32>
      %add3A_201 = vector.broadcast %slice3A_192 : vector<128x1xf32> to vector<128x128xf32>
      %add3A_202 = vector.broadcast %broadcast_in_dim3A_200 : vector<1x128xf32> to vector<128x128xf32>
      %add3A_203 = arith.addf %add3A_201, %add3A_202 : vector<128x128xf32>
      %slice3A_204 = vector.extract_strided_slice %dot_general3A_40 {offsets = [128, 0], sizes = [128, 128], strides = [1, 1]} : vector<1024x1024xf32> to vector<128x128xf32>
      %sub3A_205 = arith.subf %add3A_203, %slice3A_204 : vector<128x128xf32>
      %add3A_206 = arith.constant 0 : i32
      %add3A_207 = vector.broadcast %add3A_206 : i32 to vector<128x128xi32>
      %add3A_208 = arith.addi %iota3A, %add3A_207 : vector<128x128xi32>
      %mul3A_209 = arith.constant 1024 : i32
      %mul3A_210 = arith.muli %rem3A_0, %mul3A_209 : i32
      %add3A_211 = vector.broadcast %mul3A_210 : i32 to vector<128x128xi32>
      %add3A_212 = arith.addi %add3A_208, %add3A_211 : vector<128x128xi32>
      %lt3A_213 = arith.cmpf olt, %sub3A_205, %get3A_195 : vector<128x128xf32>
      %and3A_214 = arith.constant true
      %and3A_215 = arith.andi %or3A, %and3A_214 : i1
      %or3A_216 = vector.broadcast %and3A_215 : i1 to vector<128x128xi1>
      %or3A_217 = arith.ori %lt3A_213, %or3A_216 : vector<128x128xi1>
      %select_n3A_218 = arith.select %or3A_217, %sub3A_205, %get3A_195 : vector<128x128xi1>, vector<128x128xf32>
      %select_n3A_219 = arith.select %or3A_217, %add3A_212, %get3A_198 : vector<128x128xi1>, vector<128x128xi32>
      %slice3A_220 = vector.extract_strided_slice %get3A_31 {offsets = [128], sizes = [128], strides = [1]} : vector<1024xf32> to vector<128xf32>
      %broadcast_in_dim3A_221 = vector.shape_cast %slice3A_220 : vector<128xf32> to vector<1x128xf32>
      %add3A_222 = vector.broadcast %slice3A_192 : vector<128x1xf32> to vector<128x128xf32>
      %add3A_223 = vector.broadcast %broadcast_in_dim3A_221 : vector<1x128xf32> to vector<128x128xf32>
      %add3A_224 = arith.addf %add3A_222, %add3A_223 : vector<128x128xf32>
      %slice3A_225 = vector.extract_strided_slice %dot_general3A_40 {offsets = [128, 128], sizes = [128, 128], strides = [1, 1]} : vector<1024x1024xf32> to vector<128x128xf32>
      %sub3A_226 = arith.subf %add3A_224, %slice3A_225 : vector<128x128xf32>
      %add3A_227 = arith.constant 128 : i32
      %add3A_228 = vector.broadcast %add3A_227 : i32 to vector<128x128xi32>
      %add3A_229 = arith.addi %iota3A, %add3A_228 : vector<128x128xi32>
      %mul3A_230 = arith.constant 1024 : i32
      %mul3A_231 = arith.muli %rem3A_0, %mul3A_230 : i32
      %add3A_232 = vector.broadcast %mul3A_231 : i32 to vector<128x128xi32>
      %add3A_233 = arith.addi %add3A_229, %add3A_232 : vector<128x128xi32>
      %lt3A_234 = arith.cmpf olt, %sub3A_226, %select_n3A_218 : vector<128x128xf32>
      %select_n3A_235 = arith.select %lt3A_234, %sub3A_226, %select_n3A_218 : vector<128x128xi1>, vector<128x128xf32>
      %select_n3A_236 = arith.select %lt3A_234, %add3A_233, %select_n3A_219 : vector<128x128xi1>, vector<128x128xi32>
      %slice3A_237 = vector.extract_strided_slice %get3A_31 {offsets = [256], sizes = [128], strides = [1]} : vector<1024xf32> to vector<128xf32>
      %broadcast_in_dim3A_238 = vector.shape_cast %slice3A_237 : vector<128xf32> to vector<1x128xf32>
      %add3A_239 = vector.broadcast %slice3A_192 : vector<128x1xf32> to vector<128x128xf32>
      %add3A_240 = vector.broadcast %broadcast_in_dim3A_238 : vector<1x128xf32> to vector<128x128xf32>
      %add3A_241 = arith.addf %add3A_239, %add3A_240 : vector<128x128xf32>
      %slice3A_242 = vector.extract_strided_slice %dot_general3A_40 {offsets = [128, 256], sizes = [128, 128], strides = [1, 1]} : vector<1024x1024xf32> to vector<128x128xf32>
      %sub3A_243 = arith.subf %add3A_241, %slice3A_242 : vector<128x128xf32>
      %add3A_244 = arith.constant 256 : i32
      %add3A_245 = vector.broadcast %add3A_244 : i32 to vector<128x128xi32>
      %add3A_246 = arith.addi %iota3A, %add3A_245 : vector<128x128xi32>
      %mul3A_247 = arith.constant 1024 : i32
      %mul3A_248 = arith.muli %rem3A_0, %mul3A_247 : i32
      %add3A_249 = vector.broadcast %mul3A_248 : i32 to vector<128x128xi32>
      %add3A_250 = arith.addi %add3A_246, %add3A_249 : vector<128x128xi32>
      %lt3A_251 = arith.cmpf olt, %sub3A_243, %select_n3A_235 : vector<128x128xf32>
      %select_n3A_252 = arith.select %lt3A_251, %sub3A_243, %select_n3A_235 : vector<128x128xi1>, vector<128x128xf32>
      %select_n3A_253 = arith.select %lt3A_251, %add3A_250, %select_n3A_236 : vector<128x128xi1>, vector<128x128xi32>
      %slice3A_254 = vector.extract_strided_slice %get3A_31 {offsets = [384], sizes = [128], strides = [1]} : vector<1024xf32> to vector<128xf32>
      %broadcast_in_dim3A_255 = vector.shape_cast %slice3A_254 : vector<128xf32> to vector<1x128xf32>
      %add3A_256 = vector.broadcast %slice3A_192 : vector<128x1xf32> to vector<128x128xf32>
      %add3A_257 = vector.broadcast %broadcast_in_dim3A_255 : vector<1x128xf32> to vector<128x128xf32>
      %add3A_258 = arith.addf %add3A_256, %add3A_257 : vector<128x128xf32>
      %slice3A_259 = vector.extract_strided_slice %dot_general3A_40 {offsets = [128, 384], sizes = [128, 128], strides = [1, 1]} : vector<1024x1024xf32> to vector<128x128xf32>
      %sub3A_260 = arith.subf %add3A_258, %slice3A_259 : vector<128x128xf32>
      %add3A_261 = arith.constant 384 : i32
      %add3A_262 = vector.broadcast %add3A_261 : i32 to vector<128x128xi32>
      %add3A_263 = arith.addi %iota3A, %add3A_262 : vector<128x128xi32>
      %mul3A_264 = arith.constant 1024 : i32
      %mul3A_265 = arith.muli %rem3A_0, %mul3A_264 : i32
      %add3A_266 = vector.broadcast %mul3A_265 : i32 to vector<128x128xi32>
      %add3A_267 = arith.addi %add3A_263, %add3A_266 : vector<128x128xi32>
      %lt3A_268 = arith.cmpf olt, %sub3A_260, %select_n3A_252 : vector<128x128xf32>
      %select_n3A_269 = arith.select %lt3A_268, %sub3A_260, %select_n3A_252 : vector<128x128xi1>, vector<128x128xf32>
      %select_n3A_270 = arith.select %lt3A_268, %add3A_267, %select_n3A_253 : vector<128x128xi1>, vector<128x128xi32>
      %slice3A_271 = vector.extract_strided_slice %get3A_31 {offsets = [512], sizes = [128], strides = [1]} : vector<1024xf32> to vector<128xf32>
      %broadcast_in_dim3A_272 = vector.shape_cast %slice3A_271 : vector<128xf32> to vector<1x128xf32>
      %add3A_273 = vector.broadcast %slice3A_192 : vector<128x1xf32> to vector<128x128xf32>
      %add3A_274 = vector.broadcast %broadcast_in_dim3A_272 : vector<1x128xf32> to vector<128x128xf32>
      %add3A_275 = arith.addf %add3A_273, %add3A_274 : vector<128x128xf32>
      %slice3A_276 = vector.extract_strided_slice %dot_general3A_40 {offsets = [128, 512], sizes = [128, 128], strides = [1, 1]} : vector<1024x1024xf32> to vector<128x128xf32>
      %sub3A_277 = arith.subf %add3A_275, %slice3A_276 : vector<128x128xf32>
      %add3A_278 = arith.constant 512 : i32
      %add3A_279 = vector.broadcast %add3A_278 : i32 to vector<128x128xi32>
      %add3A_280 = arith.addi %iota3A, %add3A_279 : vector<128x128xi32>
      %mul3A_281 = arith.constant 1024 : i32
      %mul3A_282 = arith.muli %rem3A_0, %mul3A_281 : i32
      %add3A_283 = vector.broadcast %mul3A_282 : i32 to vector<128x128xi32>
      %add3A_284 = arith.addi %add3A_280, %add3A_283 : vector<128x128xi32>
      %lt3A_285 = arith.cmpf olt, %sub3A_277, %select_n3A_269 : vector<128x128xf32>
      %select_n3A_286 = arith.select %lt3A_285, %sub3A_277, %select_n3A_269 : vector<128x128xi1>, vector<128x128xf32>
      %select_n3A_287 = arith.select %lt3A_285, %add3A_284, %select_n3A_270 : vector<128x128xi1>, vector<128x128xi32>
      %slice3A_288 = vector.extract_strided_slice %get3A_31 {offsets = [640], sizes = [128], strides = [1]} : vector<1024xf32> to vector<128xf32>
      %broadcast_in_dim3A_289 = vector.shape_cast %slice3A_288 : vector<128xf32> to vector<1x128xf32>
      %add3A_290 = vector.broadcast %slice3A_192 : vector<128x1xf32> to vector<128x128xf32>
      %add3A_291 = vector.broadcast %broadcast_in_dim3A_289 : vector<1x128xf32> to vector<128x128xf32>
      %add3A_292 = arith.addf %add3A_290, %add3A_291 : vector<128x128xf32>
      %slice3A_293 = vector.extract_strided_slice %dot_general3A_40 {offsets = [128, 640], sizes = [128, 128], strides = [1, 1]} : vector<1024x1024xf32> to vector<128x128xf32>
      %sub3A_294 = arith.subf %add3A_292, %slice3A_293 : vector<128x128xf32>
      %add3A_295 = arith.constant 640 : i32
      %add3A_296 = vector.broadcast %add3A_295 : i32 to vector<128x128xi32>
      %add3A_297 = arith.addi %iota3A, %add3A_296 : vector<128x128xi32>
      %mul3A_298 = arith.constant 1024 : i32
      %mul3A_299 = arith.muli %rem3A_0, %mul3A_298 : i32
      %add3A_300 = vector.broadcast %mul3A_299 : i32 to vector<128x128xi32>
      %add3A_301 = arith.addi %add3A_297, %add3A_300 : vector<128x128xi32>
      %lt3A_302 = arith.cmpf olt, %sub3A_294, %select_n3A_286 : vector<128x128xf32>
      %select_n3A_303 = arith.select %lt3A_302, %sub3A_294, %select_n3A_286 : vector<128x128xi1>, vector<128x128xf32>
      %select_n3A_304 = arith.select %lt3A_302, %add3A_301, %select_n3A_287 : vector<128x128xi1>, vector<128x128xi32>
      %slice3A_305 = vector.extract_strided_slice %get3A_31 {offsets = [768], sizes = [128], strides = [1]} : vector<1024xf32> to vector<128xf32>
      %broadcast_in_dim3A_306 = vector.shape_cast %slice3A_305 : vector<128xf32> to vector<1x128xf32>
      %add3A_307 = vector.broadcast %slice3A_192 : vector<128x1xf32> to vector<128x128xf32>
      %add3A_308 = vector.broadcast %broadcast_in_dim3A_306 : vector<1x128xf32> to vector<128x128xf32>
      %add3A_309 = arith.addf %add3A_307, %add3A_308 : vector<128x128xf32>
      %slice3A_310 = vector.extract_strided_slice %dot_general3A_40 {offsets = [128, 768], sizes = [128, 128], strides = [1, 1]} : vector<1024x1024xf32> to vector<128x128xf32>
      %sub3A_311 = arith.subf %add3A_309, %slice3A_310 : vector<128x128xf32>
      %add3A_312 = arith.constant 768 : i32
      %add3A_313 = vector.broadcast %add3A_312 : i32 to vector<128x128xi32>
      %add3A_314 = arith.addi %iota3A, %add3A_313 : vector<128x128xi32>
      %mul3A_315 = arith.constant 1024 : i32
      %mul3A_316 = arith.muli %rem3A_0, %mul3A_315 : i32
      %add3A_317 = vector.broadcast %mul3A_316 : i32 to vector<128x128xi32>
      %add3A_318 = arith.addi %add3A_314, %add3A_317 : vector<128x128xi32>
      %lt3A_319 = arith.cmpf olt, %sub3A_311, %select_n3A_303 : vector<128x128xf32>
      %select_n3A_320 = arith.select %lt3A_319, %sub3A_311, %select_n3A_303 : vector<128x128xi1>, vector<128x128xf32>
      %select_n3A_321 = arith.select %lt3A_319, %add3A_318, %select_n3A_304 : vector<128x128xi1>, vector<128x128xi32>
      %slice3A_322 = vector.extract_strided_slice %get3A_31 {offsets = [896], sizes = [128], strides = [1]} : vector<1024xf32> to vector<128xf32>
      %broadcast_in_dim3A_323 = vector.shape_cast %slice3A_322 : vector<128xf32> to vector<1x128xf32>
      %add3A_324 = vector.broadcast %slice3A_192 : vector<128x1xf32> to vector<128x128xf32>
      %add3A_325 = vector.broadcast %broadcast_in_dim3A_323 : vector<1x128xf32> to vector<128x128xf32>
      %add3A_326 = arith.addf %add3A_324, %add3A_325 : vector<128x128xf32>
      %slice3A_327 = vector.extract_strided_slice %dot_general3A_40 {offsets = [128, 896], sizes = [128, 128], strides = [1, 1]} : vector<1024x1024xf32> to vector<128x128xf32>
      %sub3A_328 = arith.subf %add3A_326, %slice3A_327 : vector<128x128xf32>
      %add3A_329 = arith.constant 896 : i32
      %add3A_330 = vector.broadcast %add3A_329 : i32 to vector<128x128xi32>
      %add3A_331 = arith.addi %iota3A, %add3A_330 : vector<128x128xi32>
      %mul3A_332 = arith.constant 1024 : i32
      %mul3A_333 = arith.muli %rem3A_0, %mul3A_332 : i32
      %add3A_334 = vector.broadcast %mul3A_333 : i32 to vector<128x128xi32>
      %add3A_335 = arith.addi %add3A_331, %add3A_334 : vector<128x128xi32>
      %lt3A_336 = arith.cmpf olt, %sub3A_328, %select_n3A_320 : vector<128x128xf32>
      %select_n3A_337 = arith.select %lt3A_336, %sub3A_328, %select_n3A_320 : vector<128x128xi1>, vector<128x128xf32>
      %select_n3A_338 = arith.select %lt3A_336, %add3A_335, %select_n3A_321 : vector<128x128xi1>, vector<128x128xi32>
      %swap3A_339 = arith.constant 128 : index
      %swap3A_340 = arith.constant 0 : index
      %swap3A_341 = vector.load %arg7[%swap3A_339, %swap3A_340] : memref<1024x128xf32, #tpu.memory_space<vmem>>, vector<128x128xf32>
      tpu.vector_store %arg7[%swap3A_339, %swap3A_340], %select_n3A_337 {strides = array<i32>} : memref<1024x128xf32, #tpu.memory_space<vmem>>, vector<128x128xf32>,
      %swap3A_342 = arith.constant 128 : index
      %swap3A_343 = arith.constant 0 : index
      %swap3A_344 = vector.load %arg8[%swap3A_342, %swap3A_343] : memref<1024x128xi32, #tpu.memory_space<vmem>>, vector<128x128xi32>
      tpu.vector_store %arg8[%swap3A_342, %swap3A_343], %select_n3A_338 {strides = array<i32>} : memref<1024x128xi32, #tpu.memory_space<vmem>>, vector<128x128xi32>,
      %slice3A_345 = vector.extract_strided_slice %get3A_26 {offsets = [256, 0], sizes = [128, 1], strides = [1, 1]} : vector<1024x1xf32> to vector<128x1xf32>
      %get3A_346 = arith.constant 256 : index
      %get3A_347 = arith.constant 0 : index
      %get3A_348 = vector.load %arg7[%get3A_346, %get3A_347] : memref<1024x128xf32, #tpu.memory_space<vmem>>, vector<128x128xf32>
      %get3A_349 = arith.constant 256 : index
      %get3A_350 = arith.constant 0 : index
      %get3A_351 = vector.load %arg8[%get3A_349, %get3A_350] : memref<1024x128xi32, #tpu.memory_space<vmem>>, vector<128x128xi32>
      %slice3A_352 = vector.extract_strided_slice %get3A_31 {offsets = [0], sizes = [128], strides = [1]} : vector<1024xf32> to vector<128xf32>
      %broadcast_in_dim3A_353 = vector.shape_cast %slice3A_352 : vector<128xf32> to vector<1x128xf32>
      %add3A_354 = vector.broadcast %slice3A_345 : vector<128x1xf32> to vector<128x128xf32>
      %add3A_355 = vector.broadcast %broadcast_in_dim3A_353 : vector<1x128xf32> to vector<128x128xf32>
      %add3A_356 = arith.addf %add3A_354, %add3A_355 : vector<128x128xf32>
      %slice3A_357 = vector.extract_strided_slice %dot_general3A_40 {offsets = [256, 0], sizes = [128, 128], strides = [1, 1]} : vector<1024x1024xf32> to vector<128x128xf32>
      %sub3A_358 = arith.subf %add3A_356, %slice3A_357 : vector<128x128xf32>
      %add3A_359 = arith.constant 0 : i32
      %add3A_360 = vector.broadcast %add3A_359 : i32 to vector<128x128xi32>
      %add3A_361 = arith.addi %iota3A, %add3A_360 : vector<128x128xi32>
      %mul3A_362 = arith.constant 1024 : i32
      %mul3A_363 = arith.muli %rem3A_0, %mul3A_362 : i32
      %add3A_364 = vector.broadcast %mul3A_363 : i32 to vector<128x128xi32>
      %add3A_365 = arith.addi %add3A_361, %add3A_364 : vector<128x128xi32>
      %lt3A_366 = arith.cmpf olt, %sub3A_358, %get3A_348 : vector<128x128xf32>
      %and3A_367 = arith.constant true
      %and3A_368 = arith.andi %or3A, %and3A_367 : i1
      %or3A_369 = vector.broadcast %and3A_368 : i1 to vector<128x128xi1>
      %or3A_370 = arith.ori %lt3A_366, %or3A_369 : vector<128x128xi1>
      %select_n3A_371 = arith.select %or3A_370, %sub3A_358, %get3A_348 : vector<128x128xi1>, vector<128x128xf32>
      %select_n3A_372 = arith.select %or3A_370, %add3A_365, %get3A_351 : vector<128x128xi1>, vector<128x128xi32>
      %slice3A_373 = vector.extract_strided_slice %get3A_31 {offsets = [128], sizes = [128], strides = [1]} : vector<1024xf32> to vector<128xf32>
      %broadcast_in_dim3A_374 = vector.shape_cast %slice3A_373 : vector<128xf32> to vector<1x128xf32>
      %add3A_375 = vector.broadcast %slice3A_345 : vector<128x1xf32> to vector<128x128xf32>
      %add3A_376 = vector.broadcast %broadcast_in_dim3A_374 : vector<1x128xf32> to vector<128x128xf32>
      %add3A_377 = arith.addf %add3A_375, %add3A_376 : vector<128x128xf32>
      %slice3A_378 = vector.extract_strided_slice %dot_general3A_40 {offsets = [256, 128], sizes = [128, 128], strides = [1, 1]} : vector<1024x1024xf32> to vector<128x128xf32>
      %sub3A_379 = arith.subf %add3A_377, %slice3A_378 : vector<128x128xf32>
      %add3A_380 = arith.constant 128 : i32
      %add3A_381 = vector.broadcast %add3A_380 : i32 to vector<128x128xi32>
      %add3A_382 = arith.addi %iota3A, %add3A_381 : vector<128x128xi32>
      %mul3A_383 = arith.constant 1024 : i32
      %mul3A_384 = arith.muli %rem3A_0, %mul3A_383 : i32
      %add3A_385 = vector.broadcast %mul3A_384 : i32 to vector<128x128xi32>
      %add3A_386 = arith.addi %add3A_382, %add3A_385 : vector<128x128xi32>
      %lt3A_387 = arith.cmpf olt, %sub3A_379, %select_n3A_371 : vector<128x128xf32>
      %select_n3A_388 = arith.select %lt3A_387, %sub3A_379, %select_n3A_371 : vector<128x128xi1>, vector<128x128xf32>
      %select_n3A_389 = arith.select %lt3A_387, %add3A_386, %select_n3A_372 : vector<128x128xi1>, vector<128x128xi32>
      %slice3A_390 = vector.extract_strided_slice %get3A_31 {offsets = [256], sizes = [128], strides = [1]} : vector<1024xf32> to vector<128xf32>
      %broadcast_in_dim3A_391 = vector.shape_cast %slice3A_390 : vector<128xf32> to vector<1x128xf32>
      %add3A_392 = vector.broadcast %slice3A_345 : vector<128x1xf32> to vector<128x128xf32>
      %add3A_393 = vector.broadcast %broadcast_in_dim3A_391 : vector<1x128xf32> to vector<128x128xf32>
      %add3A_394 = arith.addf %add3A_392, %add3A_393 : vector<128x128xf32>
      %slice3A_395 = vector.extract_strided_slice %dot_general3A_40 {offsets = [256, 256], sizes = [128, 128], strides = [1, 1]} : vector<1024x1024xf32> to vector<128x128xf32>
      %sub3A_396 = arith.subf %add3A_394, %slice3A_395 : vector<128x128xf32>
      %add3A_397 = arith.constant 256 : i32
      %add3A_398 = vector.broadcast %add3A_397 : i32 to vector<128x128xi32>
      %add3A_399 = arith.addi %iota3A, %add3A_398 : vector<128x128xi32>
      %mul3A_400 = arith.constant 1024 : i32
      %mul3A_401 = arith.muli %rem3A_0, %mul3A_400 : i32
      %add3A_402 = vector.broadcast %mul3A_401 : i32 to vector<128x128xi32>
      %add3A_403 = arith.addi %add3A_399, %add3A_402 : vector<128x128xi32>
      %lt3A_404 = arith.cmpf olt, %sub3A_396, %select_n3A_388 : vector<128x128xf32>
      %select_n3A_405 = arith.select %lt3A_404, %sub3A_396, %select_n3A_388 : vector<128x128xi1>, vector<128x128xf32>
      %select_n3A_406 = arith.select %lt3A_404, %add3A_403, %select_n3A_389 : vector<128x128xi1>, vector<128x128xi32>
      %slice3A_407 = vector.extract_strided_slice %get3A_31 {offsets = [384], sizes = [128], strides = [1]} : vector<1024xf32> to vector<128xf32>
      %broadcast_in_dim3A_408 = vector.shape_cast %slice3A_407 : vector<128xf32> to vector<1x128xf32>
      %add3A_409 = vector.broadcast %slice3A_345 : vector<128x1xf32> to vector<128x128xf32>
      %add3A_410 = vector.broadcast %broadcast_in_dim3A_408 : vector<1x128xf32> to vector<128x128xf32>
      %add3A_411 = arith.addf %add3A_409, %add3A_410 : vector<128x128xf32>
      %slice3A_412 = vector.extract_strided_slice %dot_general3A_40 {offsets = [256, 384], sizes = [128, 128], strides = [1, 1]} : vector<1024x1024xf32> to vector<128x128xf32>
      %sub3A_413 = arith.subf %add3A_411, %slice3A_412 : vector<128x128xf32>
      %add3A_414 = arith.constant 384 : i32
      %add3A_415 = vector.broadcast %add3A_414 : i32 to vector<128x128xi32>
      %add3A_416 = arith.addi %iota3A, %add3A_415 : vector<128x128xi32>
      %mul3A_417 = arith.constant 1024 : i32
      %mul3A_418 = arith.muli %rem3A_0, %mul3A_417 : i32
      %add3A_419 = vector.broadcast %mul3A_418 : i32 to vector<128x128xi32>
      %add3A_420 = arith.addi %add3A_416, %add3A_419 : vector<128x128xi32>
      %lt3A_421 = arith.cmpf olt, %sub3A_413, %select_n3A_405 : vector<128x128xf32>
      %select_n3A_422 = arith.select %lt3A_421, %sub3A_413, %select_n3A_405 : vector<128x128xi1>, vector<128x128xf32>
      %select_n3A_423 = arith.select %lt3A_421, %add3A_420, %select_n3A_406 : vector<128x128xi1>, vector<128x128xi32>
      %slice3A_424 = vector.extract_strided_slice %get3A_31 {offsets = [512], sizes = [128], strides = [1]} : vector<1024xf32> to vector<128xf32>
      %broadcast_in_dim3A_425 = vector.shape_cast %slice3A_424 : vector<128xf32> to vector<1x128xf32>
      %add3A_426 = vector.broadcast %slice3A_345 : vector<128x1xf32> to vector<128x128xf32>
      %add3A_427 = vector.broadcast %broadcast_in_dim3A_425 : vector<1x128xf32> to vector<128x128xf32>
      %add3A_428 = arith.addf %add3A_426, %add3A_427 : vector<128x128xf32>
      %slice3A_429 = vector.extract_strided_slice %dot_general3A_40 {offsets = [256, 512], sizes = [128, 128], strides = [1, 1]} : vector<1024x1024xf32> to vector<128x128xf32>
      %sub3A_430 = arith.subf %add3A_428, %slice3A_429 : vector<128x128xf32>
      %add3A_431 = arith.constant 512 : i32
      %add3A_432 = vector.broadcast %add3A_431 : i32 to vector<128x128xi32>
      %add3A_433 = arith.addi %iota3A, %add3A_432 : vector<128x128xi32>
      %mul3A_434 = arith.constant 1024 : i32
      %mul3A_435 = arith.muli %rem3A_0, %mul3A_434 : i32
      %add3A_436 = vector.broadcast %mul3A_435 : i32 to vector<128x128xi32>
      %add3A_437 = arith.addi %add3A_433, %add3A_436 : vector<128x128xi32>
      %lt3A_438 = arith.cmpf olt, %sub3A_430, %select_n3A_422 : vector<128x128xf32>
      %select_n3A_439 = arith.select %lt3A_438, %sub3A_430, %select_n3A_422 : vector<128x128xi1>, vector<128x128xf32>
      %select_n3A_440 = arith.select %lt3A_438, %add3A_437, %select_n3A_423 : vector<128x128xi1>, vector<128x128xi32>
      %slice3A_441 = vector.extract_strided_slice %get3A_31 {offsets = [640], sizes = [128], strides = [1]} : vector<1024xf32> to vector<128xf32>
      %broadcast_in_dim3A_442 = vector.shape_cast %slice3A_441 : vector<128xf32> to vector<1x128xf32>
      %add3A_443 = vector.broadcast %slice3A_345 : vector<128x1xf32> to vector<128x128xf32>
      %add3A_444 = vector.broadcast %broadcast_in_dim3A_442 : vector<1x128xf32> to vector<128x128xf32>
      %add3A_445 = arith.addf %add3A_443, %add3A_444 : vector<128x128xf32>
      %slice3A_446 = vector.extract_strided_slice %dot_general3A_40 {offsets = [256, 640], sizes = [128, 128], strides = [1, 1]} : vector<1024x1024xf32> to vector<128x128xf32>
      %sub3A_447 = arith.subf %add3A_445, %slice3A_446 : vector<128x128xf32>
      %add3A_448 = arith.constant 640 : i32
      %add3A_449 = vector.broadcast %add3A_448 : i32 to vector<128x128xi32>
      %add3A_450 = arith.addi %iota3A, %add3A_449 : vector<128x128xi32>
      %mul3A_451 = arith.constant 1024 : i32
      %mul3A_452 = arith.muli %rem3A_0, %mul3A_451 : i32
      %add3A_453 = vector.broadcast %mul3A_452 : i32 to vector<128x128xi32>
      %add3A_454 = arith.addi %add3A_450, %add3A_453 : vector<128x128xi32>
      %lt3A_455 = arith.cmpf olt, %sub3A_447, %select_n3A_439 : vector<128x128xf32>
      %select_n3A_456 = arith.select %lt3A_455, %sub3A_447, %select_n3A_439 : vector<128x128xi1>, vector<128x128xf32>
      %select_n3A_457 = arith.select %lt3A_455, %add3A_454, %select_n3A_440 : vector<128x128xi1>, vector<128x128xi32>
      %slice3A_458 = vector.extract_strided_slice %get3A_31 {offsets = [768], sizes = [128], strides = [1]} : vector<1024xf32> to vector<128xf32>
      %broadcast_in_dim3A_459 = vector.shape_cast %slice3A_458 : vector<128xf32> to vector<1x128xf32>
      %add3A_460 = vector.broadcast %slice3A_345 : vector<128x1xf32> to vector<128x128xf32>
      %add3A_461 = vector.broadcast %broadcast_in_dim3A_459 : vector<1x128xf32> to vector<128x128xf32>
      %add3A_462 = arith.addf %add3A_460, %add3A_461 : vector<128x128xf32>
      %slice3A_463 = vector.extract_strided_slice %dot_general3A_40 {offsets = [256, 768], sizes = [128, 128], strides = [1, 1]} : vector<1024x1024xf32> to vector<128x128xf32>
      %sub3A_464 = arith.subf %add3A_462, %slice3A_463 : vector<128x128xf32>
      %add3A_465 = arith.constant 768 : i32
      %add3A_466 = vector.broadcast %add3A_465 : i32 to vector<128x128xi32>
      %add3A_467 = arith.addi %iota3A, %add3A_466 : vector<128x128xi32>
      %mul3A_468 = arith.constant 1024 : i32
      %mul3A_469 = arith.muli %rem3A_0, %mul3A_468 : i32
      %add3A_470 = vector.broadcast %mul3A_469 : i32 to vector<128x128xi32>
      %add3A_471 = arith.addi %add3A_467, %add3A_470 : vector<128x128xi32>
      %lt3A_472 = arith.cmpf olt, %sub3A_464, %select_n3A_456 : vector<128x128xf32>
      %select_n3A_473 = arith.select %lt3A_472, %sub3A_464, %select_n3A_456 : vector<128x128xi1>, vector<128x128xf32>
      %select_n3A_474 = arith.select %lt3A_472, %add3A_471, %select_n3A_457 : vector<128x128xi1>, vector<128x128xi32>
      %slice3A_475 = vector.extract_strided_slice %get3A_31 {offsets = [896], sizes = [128], strides = [1]} : vector<1024xf32> to vector<128xf32>
      %broadcast_in_dim3A_476 = vector.shape_cast %slice3A_475 : vector<128xf32> to vector<1x128xf32>
      %add3A_477 = vector.broadcast %slice3A_345 : vector<128x1xf32> to vector<128x128xf32>
      %add3A_478 = vector.broadcast %broadcast_in_dim3A_476 : vector<1x128xf32> to vector<128x128xf32>
      %add3A_479 = arith.addf %add3A_477, %add3A_478 : vector<128x128xf32>
      %slice3A_480 = vector.extract_strided_slice %dot_general3A_40 {offsets = [256, 896], sizes = [128, 128], strides = [1, 1]} : vector<1024x1024xf32> to vector<128x128xf32>
      %sub3A_481 = arith.subf %add3A_479, %slice3A_480 : vector<128x128xf32>
      %add3A_482 = arith.constant 896 : i32
      %add3A_483 = vector.broadcast %add3A_482 : i32 to vector<128x128xi32>
      %add3A_484 = arith.addi %iota3A, %add3A_483 : vector<128x128xi32>
      %mul3A_485 = arith.constant 1024 : i32
      %mul3A_486 = arith.muli %rem3A_0, %mul3A_485 : i32
      %add3A_487 = vector.broadcast %mul3A_486 : i32 to vector<128x128xi32>
      %add3A_488 = arith.addi %add3A_484, %add3A_487 : vector<128x128xi32>
      %lt3A_489 = arith.cmpf olt, %sub3A_481, %select_n3A_473 : vector<128x128xf32>
      %select_n3A_490 = arith.select %lt3A_489, %sub3A_481, %select_n3A_473 : vector<128x128xi1>, vector<128x128xf32>
      %select_n3A_491 = arith.select %lt3A_489, %add3A_488, %select_n3A_474 : vector<128x128xi1>, vector<128x128xi32>
      %swap3A_492 = arith.constant 256 : index
      %swap3A_493 = arith.constant 0 : index
      %swap3A_494 = vector.load %arg7[%swap3A_492, %swap3A_493] : memref<1024x128xf32, #tpu.memory_space<vmem>>, vector<128x128xf32>
      tpu.vector_store %arg7[%swap3A_492, %swap3A_493], %select_n3A_490 {strides = array<i32>} : memref<1024x128xf32, #tpu.memory_space<vmem>>, vector<128x128xf32>,
      %swap3A_495 = arith.constant 256 : index
      %swap3A_496 = arith.constant 0 : index
      %swap3A_497 = vector.load %arg8[%swap3A_495, %swap3A_496] : memref<1024x128xi32, #tpu.memory_space<vmem>>, vector<128x128xi32>
      tpu.vector_store %arg8[%swap3A_495, %swap3A_496], %select_n3A_491 {strides = array<i32>} : memref<1024x128xi32, #tpu.memory_space<vmem>>, vector<128x128xi32>,
      %slice3A_498 = vector.extract_strided_slice %get3A_26 {offsets = [384, 0], sizes = [128, 1], strides = [1, 1]} : vector<1024x1xf32> to vector<128x1xf32>
      %get3A_499 = arith.constant 384 : index
      %get3A_500 = arith.constant 0 : index
      %get3A_501 = vector.load %arg7[%get3A_499, %get3A_500] : memref<1024x128xf32, #tpu.memory_space<vmem>>, vector<128x128xf32>
      %get3A_502 = arith.constant 384 : index
      %get3A_503 = arith.constant 0 : index
      %get3A_504 = vector.load %arg8[%get3A_502, %get3A_503] : memref<1024x128xi32, #tpu.memory_space<vmem>>, vector<128x128xi32>
      %slice3A_505 = vector.extract_strided_slice %get3A_31 {offsets = [0], sizes = [128], strides = [1]} : vector<1024xf32> to vector<128xf32>
      %broadcast_in_dim3A_506 = vector.shape_cast %slice3A_505 : vector<128xf32> to vector<1x128xf32>
      %add3A_507 = vector.broadcast %slice3A_498 : vector<128x1xf32> to vector<128x128xf32>
      %add3A_508 = vector.broadcast %broadcast_in_dim3A_506 : vector<1x128xf32> to vector<128x128xf32>
      %add3A_509 = arith.addf %add3A_507, %add3A_508 : vector<128x128xf32>
      %slice3A_510 = vector.extract_strided_slice %dot_general3A_40 {offsets = [384, 0], sizes = [128, 128], strides = [1, 1]} : vector<1024x1024xf32> to vector<128x128xf32>
      %sub3A_511 = arith.subf %add3A_509, %slice3A_510 : vector<128x128xf32>
      %add3A_512 = arith.constant 0 : i32
      %add3A_513 = vector.broadcast %add3A_512 : i32 to vector<128x128xi32>
      %add3A_514 = arith.addi %iota3A, %add3A_513 : vector<128x128xi32>
      %mul3A_515 = arith.constant 1024 : i32
      %mul3A_516 = arith.muli %rem3A_0, %mul3A_515 : i32
      %add3A_517 = vector.broadcast %mul3A_516 : i32 to vector<128x128xi32>
      %add3A_518 = arith.addi %add3A_514, %add3A_517 : vector<128x128xi32>
      %lt3A_519 = arith.cmpf olt, %sub3A_511, %get3A_501 : vector<128x128xf32>
      %and3A_520 = arith.constant true
      %and3A_521 = arith.andi %or3A, %and3A_520 : i1
      %or3A_522 = vector.broadcast %and3A_521 : i1 to vector<128x128xi1>
      %or3A_523 = arith.ori %lt3A_519, %or3A_522 : vector<128x128xi1>
      %select_n3A_524 = arith.select %or3A_523, %sub3A_511, %get3A_501 : vector<128x128xi1>, vector<128x128xf32>
      %select_n3A_525 = arith.select %or3A_523, %add3A_518, %get3A_504 : vector<128x128xi1>, vector<128x128xi32>
      %slice3A_526 = vector.extract_strided_slice %get3A_31 {offsets = [128], sizes = [128], strides = [1]} : vector<1024xf32> to vector<128xf32>
      %broadcast_in_dim3A_527 = vector.shape_cast %slice3A_526 : vector<128xf32> to vector<1x128xf32>
      %add3A_528 = vector.broadcast %slice3A_498 : vector<128x1xf32> to vector<128x128xf32>
      %add3A_529 = vector.broadcast %broadcast_in_dim3A_527 : vector<1x128xf32> to vector<128x128xf32>
      %add3A_530 = arith.addf %add3A_528, %add3A_529 : vector<128x128xf32>
      %slice3A_531 = vector.extract_strided_slice %dot_general3A_40 {offsets = [384, 128], sizes = [128, 128], strides = [1, 1]} : vector<1024x1024xf32> to vector<128x128xf32>
      %sub3A_532 = arith.subf %add3A_530, %slice3A_531 : vector<128x128xf32>
      %add3A_533 = arith.constant 128 : i32
      %add3A_534 = vector.broadcast %add3A_533 : i32 to vector<128x128xi32>
      %add3A_535 = arith.addi %iota3A, %add3A_534 : vector<128x128xi32>
      %mul3A_536 = arith.constant 1024 : i32
      %mul3A_537 = arith.muli %rem3A_0, %mul3A_536 : i32
      %add3A_538 = vector.broadcast %mul3A_537 : i32 to vector<128x128xi32>
      %add3A_539 = arith.addi %add3A_535, %add3A_538 : vector<128x128xi32>
      %lt3A_540 = arith.cmpf olt, %sub3A_532, %select_n3A_524 : vector<128x128xf32>
      %select_n3A_541 = arith.select %lt3A_540, %sub3A_532, %select_n3A_524 : vector<128x128xi1>, vector<128x128xf32>
      %select_n3A_542 = arith.select %lt3A_540, %add3A_539, %select_n3A_525 : vector<128x128xi1>, vector<128x128xi32>
      %slice3A_543 = vector.extract_strided_slice %get3A_31 {offsets = [256], sizes = [128], strides = [1]} : vector<1024xf32> to vector<128xf32>
      %broadcast_in_dim3A_544 = vector.shape_cast %slice3A_543 : vector<128xf32> to vector<1x128xf32>
      %add3A_545 = vector.broadcast %slice3A_498 : vector<128x1xf32> to vector<128x128xf32>
      %add3A_546 = vector.broadcast %broadcast_in_dim3A_544 : vector<1x128xf32> to vector<128x128xf32>
      %add3A_547 = arith.addf %add3A_545, %add3A_546 : vector<128x128xf32>
      %slice3A_548 = vector.extract_strided_slice %dot_general3A_40 {offsets = [384, 256], sizes = [128, 128], strides = [1, 1]} : vector<1024x1024xf32> to vector<128x128xf32>
      %sub3A_549 = arith.subf %add3A_547, %slice3A_548 : vector<128x128xf32>
      %add3A_550 = arith.constant 256 : i32
      %add3A_551 = vector.broadcast %add3A_550 : i32 to vector<128x128xi32>
      %add3A_552 = arith.addi %iota3A, %add3A_551 : vector<128x128xi32>
      %mul3A_553 = arith.constant 1024 : i32
      %mul3A_554 = arith.muli %rem3A_0, %mul3A_553 : i32
      %add3A_555 = vector.broadcast %mul3A_554 : i32 to vector<128x128xi32>
      %add3A_556 = arith.addi %add3A_552, %add3A_555 : vector<128x128xi32>
      %lt3A_557 = arith.cmpf olt, %sub3A_549, %select_n3A_541 : vector<128x128xf32>
      %select_n3A_558 = arith.select %lt3A_557, %sub3A_549, %select_n3A_541 : vector<128x128xi1>, vector<128x128xf32>
      %select_n3A_559 = arith.select %lt3A_557, %add3A_556, %select_n3A_542 : vector<128x128xi1>, vector<128x128xi32>
      %slice3A_560 = vector.extract_strided_slice %get3A_31 {offsets = [384], sizes = [128], strides = [1]} : vector<1024xf32> to vector<128xf32>
      %broadcast_in_dim3A_561 = vector.shape_cast %slice3A_560 : vector<128xf32> to vector<1x128xf32>
      %add3A_562 = vector.broadcast %slice3A_498 : vector<128x1xf32> to vector<128x128xf32>
      %add3A_563 = vector.broadcast %broadcast_in_dim3A_561 : vector<1x128xf32> to vector<128x128xf32>
      %add3A_564 = arith.addf %add3A_562, %add3A_563 : vector<128x128xf32>
      %slice3A_565 = vector.extract_strided_slice %dot_general3A_40 {offsets = [384, 384], sizes = [128, 128], strides = [1, 1]} : vector<1024x1024xf32> to vector<128x128xf32>
      %sub3A_566 = arith.subf %add3A_564, %slice3A_565 : vector<128x128xf32>
      %add3A_567 = arith.constant 384 : i32
      %add3A_568 = vector.broadcast %add3A_567 : i32 to vector<128x128xi32>
      %add3A_569 = arith.addi %iota3A, %add3A_568 : vector<128x128xi32>
      %mul3A_570 = arith.constant 1024 : i32
      %mul3A_571 = arith.muli %rem3A_0, %mul3A_570 : i32
      %add3A_572 = vector.broadcast %mul3A_571 : i32 to vector<128x128xi32>
      %add3A_573 = arith.addi %add3A_569, %add3A_572 : vector<128x128xi32>
      %lt3A_574 = arith.cmpf olt, %sub3A_566, %select_n3A_558 : vector<128x128xf32>
      %select_n3A_575 = arith.select %lt3A_574, %sub3A_566, %select_n3A_558 : vector<128x128xi1>, vector<128x128xf32>
      %select_n3A_576 = arith.select %lt3A_574, %add3A_573, %select_n3A_559 : vector<128x128xi1>, vector<128x128xi32>
      %slice3A_577 = vector.extract_strided_slice %get3A_31 {offsets = [512], sizes = [128], strides = [1]} : vector<1024xf32> to vector<128xf32>
      %broadcast_in_dim3A_578 = vector.shape_cast %slice3A_577 : vector<128xf32> to vector<1x128xf32>
      %add3A_579 = vector.broadcast %slice3A_498 : vector<128x1xf32> to vector<128x128xf32>
      %add3A_580 = vector.broadcast %broadcast_in_dim3A_578 : vector<1x128xf32> to vector<128x128xf32>
      %add3A_581 = arith.addf %add3A_579, %add3A_580 : vector<128x128xf32>
      %slice3A_582 = vector.extract_strided_slice %dot_general3A_40 {offsets = [384, 512], sizes = [128, 128], strides = [1, 1]} : vector<1024x1024xf32> to vector<128x128xf32>
      %sub3A_583 = arith.subf %add3A_581, %slice3A_582 : vector<128x128xf32>
      %add3A_584 = arith.constant 512 : i32
      %add3A_585 = vector.broadcast %add3A_584 : i32 to vector<128x128xi32>
      %add3A_586 = arith.addi %iota3A, %add3A_585 : vector<128x128xi32>
      %mul3A_587 = arith.constant 1024 : i32
      %mul3A_588 = arith.muli %rem3A_0, %mul3A_587 : i32
      %add3A_589 = vector.broadcast %mul3A_588 : i32 to vector<128x128xi32>
      %add3A_590 = arith.addi %add3A_586, %add3A_589 : vector<128x128xi32>
      %lt3A_591 = arith.cmpf olt, %sub3A_583, %select_n3A_575 : vector<128x128xf32>
      %select_n3A_592 = arith.select %lt3A_591, %sub3A_583, %select_n3A_575 : vector<128x128xi1>, vector<128x128xf32>
      %select_n3A_593 = arith.select %lt3A_591, %add3A_590, %select_n3A_576 : vector<128x128xi1>, vector<128x128xi32>
      %slice3A_594 = vector.extract_strided_slice %get3A_31 {offsets = [640], sizes = [128], strides = [1]} : vector<1024xf32> to vector<128xf32>
      %broadcast_in_dim3A_595 = vector.shape_cast %slice3A_594 : vector<128xf32> to vector<1x128xf32>
      %add3A_596 = vector.broadcast %slice3A_498 : vector<128x1xf32> to vector<128x128xf32>
      %add3A_597 = vector.broadcast %broadcast_in_dim3A_595 : vector<1x128xf32> to vector<128x128xf32>
      %add3A_598 = arith.addf %add3A_596, %add3A_597 : vector<128x128xf32>
      %slice3A_599 = vector.extract_strided_slice %dot_general3A_40 {offsets = [384, 640], sizes = [128, 128], strides = [1, 1]} : vector<1024x1024xf32> to vector<128x128xf32>
      %sub3A_600 = arith.subf %add3A_598, %slice3A_599 : vector<128x128xf32>
      %add3A_601 = arith.constant 640 : i32
      %add3A_602 = vector.broadcast %add3A_601 : i32 to vector<128x128xi32>
      %add3A_603 = arith.addi %iota3A, %add3A_602 : vector<128x128xi32>
      %mul3A_604 = arith.constant 1024 : i32
      %mul3A_605 = arith.muli %rem3A_0, %mul3A_604 : i32
      %add3A_606 = vector.broadcast %mul3A_605 : i32 to vector<128x128xi32>
      %add3A_607 = arith.addi %add3A_603, %add3A_606 : vector<128x128xi32>
      %lt3A_608 = arith.cmpf olt, %sub3A_600, %select_n3A_592 : vector<128x128xf32>
      %select_n3A_609 = arith.select %lt3A_608, %sub3A_600, %select_n3A_592 : vector<128x128xi1>, vector<128x128xf32>
      %select_n3A_610 = arith.select %lt3A_608, %add3A_607, %select_n3A_593 : vector<128x128xi1>, vector<128x128xi32>
      %slice3A_611 = vector.extract_strided_slice %get3A_31 {offsets = [768], sizes = [128], strides = [1]} : vector<1024xf32> to vector<128xf32>
      %broadcast_in_dim3A_612 = vector.shape_cast %slice3A_611 : vector<128xf32> to vector<1x128xf32>
      %add3A_613 = vector.broadcast %slice3A_498 : vector<128x1xf32> to vector<128x128xf32>
      %add3A_614 = vector.broadcast %broadcast_in_dim3A_612 : vector<1x128xf32> to vector<128x128xf32>
      %add3A_615 = arith.addf %add3A_613, %add3A_614 : vector<128x128xf32>
      %slice3A_616 = vector.extract_strided_slice %dot_general3A_40 {offsets = [384, 768], sizes = [128, 128], strides = [1, 1]} : vector<1024x1024xf32> to vector<128x128xf32>
      %sub3A_617 = arith.subf %add3A_615, %slice3A_616 : vector<128x128xf32>
      %add3A_618 = arith.constant 768 : i32
      %add3A_619 = vector.broadcast %add3A_618 : i32 to vector<128x128xi32>
      %add3A_620 = arith.addi %iota3A, %add3A_619 : vector<128x128xi32>
      %mul3A_621 = arith.constant 1024 : i32
      %mul3A_622 = arith.muli %rem3A_0, %mul3A_621 : i32
      %add3A_623 = vector.broadcast %mul3A_622 : i32 to vector<128x128xi32>
      %add3A_624 = arith.addi %add3A_620, %add3A_623 : vector<128x128xi32>
      %lt3A_625 = arith.cmpf olt, %sub3A_617, %select_n3A_609 : vector<128x128xf32>
      %select_n3A_626 = arith.select %lt3A_625, %sub3A_617, %select_n3A_609 : vector<128x128xi1>, vector<128x128xf32>
      %select_n3A_627 = arith.select %lt3A_625, %add3A_624, %select_n3A_610 : vector<128x128xi1>, vector<128x128xi32>
      %slice3A_628 = vector.extract_strided_slice %get3A_31 {offsets = [896], sizes = [128], strides = [1]} : vector<1024xf32> to vector<128xf32>
      %broadcast_in_dim3A_629 = vector.shape_cast %slice3A_628 : vector<128xf32> to vector<1x128xf32>
      %add3A_630 = vector.broadcast %slice3A_498 : vector<128x1xf32> to vector<128x128xf32>
      %add3A_631 = vector.broadcast %broadcast_in_dim3A_629 : vector<1x128xf32> to vector<128x128xf32>
      %add3A_632 = arith.addf %add3A_630, %add3A_631 : vector<128x128xf32>
      %slice3A_633 = vector.extract_strided_slice %dot_general3A_40 {offsets = [384, 896], sizes = [128, 128], strides = [1, 1]} : vector<1024x1024xf32> to vector<128x128xf32>
      %sub3A_634 = arith.subf %add3A_632, %slice3A_633 : vector<128x128xf32>
      %add3A_635 = arith.constant 896 : i32
      %add3A_636 = vector.broadcast %add3A_635 : i32 to vector<128x128xi32>
      %add3A_637 = arith.addi %iota3A, %add3A_636 : vector<128x128xi32>
      %mul3A_638 = arith.constant 1024 : i32
      %mul3A_639 = arith.muli %rem3A_0, %mul3A_638 : i32
      %add3A_640 = vector.broadcast %mul3A_639 : i32 to vector<128x128xi32>
      %add3A_641 = arith.addi %add3A_637, %add3A_640 : vector<128x128xi32>
      %lt3A_642 = arith.cmpf olt, %sub3A_634, %select_n3A_626 : vector<128x128xf32>
      %select_n3A_643 = arith.select %lt3A_642, %sub3A_634, %select_n3A_626 : vector<128x128xi1>, vector<128x128xf32>
      %select_n3A_644 = arith.select %lt3A_642, %add3A_641, %select_n3A_627 : vector<128x128xi1>, vector<128x128xi32>
      %swap3A_645 = arith.constant 384 : index
      %swap3A_646 = arith.constant 0 : index
      %swap3A_647 = vector.load %arg7[%swap3A_645, %swap3A_646] : memref<1024x128xf32, #tpu.memory_space<vmem>>, vector<128x128xf32>
      tpu.vector_store %arg7[%swap3A_645, %swap3A_646], %select_n3A_643 {strides = array<i32>} : memref<1024x128xf32, #tpu.memory_space<vmem>>, vector<128x128xf32>,
      %swap3A_648 = arith.constant 384 : index
      %swap3A_649 = arith.constant 0 : index
      %swap3A_650 = vector.load %arg8[%swap3A_648, %swap3A_649] : memref<1024x128xi32, #tpu.memory_space<vmem>>, vector<128x128xi32>
      tpu.vector_store %arg8[%swap3A_648, %swap3A_649], %select_n3A_644 {strides = array<i32>} : memref<1024x128xi32, #tpu.memory_space<vmem>>, vector<128x128xi32>,
      %slice3A_651 = vector.extract_strided_slice %get3A_26 {offsets = [512, 0], sizes = [128, 1], strides = [1, 1]} : vector<1024x1xf32> to vector<128x1xf32>
      %get3A_652 = arith.constant 512 : index
      %get3A_653 = arith.constant 0 : index
      %get3A_654 = vector.load %arg7[%get3A_652, %get3A_653] : memref<1024x128xf32, #tpu.memory_space<vmem>>, vector<128x128xf32>
      %get3A_655 = arith.constant 512 : index
      %get3A_656 = arith.constant 0 : index
      %get3A_657 = vector.load %arg8[%get3A_655, %get3A_656] : memref<1024x128xi32, #tpu.memory_space<vmem>>, vector<128x128xi32>
      %slice3A_658 = vector.extract_strided_slice %get3A_31 {offsets = [0], sizes = [128], strides = [1]} : vector<1024xf32> to vector<128xf32>
      %broadcast_in_dim3A_659 = vector.shape_cast %slice3A_658 : vector<128xf32> to vector<1x128xf32>
      %add3A_660 = vector.broadcast %slice3A_651 : vector<128x1xf32> to vector<128x128xf32>
      %add3A_661 = vector.broadcast %broadcast_in_dim3A_659 : vector<1x128xf32> to vector<128x128xf32>
      %add3A_662 = arith.addf %add3A_660, %add3A_661 : vector<128x128xf32>
      %slice3A_663 = vector.extract_strided_slice %dot_general3A_40 {offsets = [512, 0], sizes = [128, 128], strides = [1, 1]} : vector<1024x1024xf32> to vector<128x128xf32>
      %sub3A_664 = arith.subf %add3A_662, %slice3A_663 : vector<128x128xf32>
      %add3A_665 = arith.constant 0 : i32
      %add3A_666 = vector.broadcast %add3A_665 : i32 to vector<128x128xi32>
      %add3A_667 = arith.addi %iota3A, %add3A_666 : vector<128x128xi32>
      %mul3A_668 = arith.constant 1024 : i32
      %mul3A_669 = arith.muli %rem3A_0, %mul3A_668 : i32
      %add3A_670 = vector.broadcast %mul3A_669 : i32 to vector<128x128xi32>
      %add3A_671 = arith.addi %add3A_667, %add3A_670 : vector<128x128xi32>
      %lt3A_672 = arith.cmpf olt, %sub3A_664, %get3A_654 : vector<128x128xf32>
      %and3A_673 = arith.constant true
      %and3A_674 = arith.andi %or3A, %and3A_673 : i1
      %or3A_675 = vector.broadcast %and3A_674 : i1 to vector<128x128xi1>
      %or3A_676 = arith.ori %lt3A_672, %or3A_675 : vector<128x128xi1>
      %select_n3A_677 = arith.select %or3A_676, %sub3A_664, %get3A_654 : vector<128x128xi1>, vector<128x128xf32>
      %select_n3A_678 = arith.select %or3A_676, %add3A_671, %get3A_657 : vector<128x128xi1>, vector<128x128xi32>
      %slice3A_679 = vector.extract_strided_slice %get3A_31 {offsets = [128], sizes = [128], strides = [1]} : vector<1024xf32> to vector<128xf32>
      %broadcast_in_dim3A_680 = vector.shape_cast %slice3A_679 : vector<128xf32> to vector<1x128xf32>
      %add3A_681 = vector.broadcast %slice3A_651 : vector<128x1xf32> to vector<128x128xf32>
      %add3A_682 = vector.broadcast %broadcast_in_dim3A_680 : vector<1x128xf32> to vector<128x128xf32>
      %add3A_683 = arith.addf %add3A_681, %add3A_682 : vector<128x128xf32>
      %slice3A_684 = vector.extract_strided_slice %dot_general3A_40 {offsets = [512, 128], sizes = [128, 128], strides = [1, 1]} : vector<1024x1024xf32> to vector<128x128xf32>
      %sub3A_685 = arith.subf %add3A_683, %slice3A_684 : vector<128x128xf32>
      %add3A_686 = arith.constant 128 : i32
      %add3A_687 = vector.broadcast %add3A_686 : i32 to vector<128x128xi32>
      %add3A_688 = arith.addi %iota3A, %add3A_687 : vector<128x128xi32>
      %mul3A_689 = arith.constant 1024 : i32
      %mul3A_690 = arith.muli %rem3A_0, %mul3A_689 : i32
      %add3A_691 = vector.broadcast %mul3A_690 : i32 to vector<128x128xi32>
      %add3A_692 = arith.addi %add3A_688, %add3A_691 : vector<128x128xi32>
      %lt3A_693 = arith.cmpf olt, %sub3A_685, %select_n3A_677 : vector<128x128xf32>
      %select_n3A_694 = arith.select %lt3A_693, %sub3A_685, %select_n3A_677 : vector<128x128xi1>, vector<128x128xf32>
      %select_n3A_695 = arith.select %lt3A_693, %add3A_692, %select_n3A_678 : vector<128x128xi1>, vector<128x128xi32>
      %slice3A_696 = vector.extract_strided_slice %get3A_31 {offsets = [256], sizes = [128], strides = [1]} : vector<1024xf32> to vector<128xf32>
      %broadcast_in_dim3A_697 = vector.shape_cast %slice3A_696 : vector<128xf32> to vector<1x128xf32>
      %add3A_698 = vector.broadcast %slice3A_651 : vector<128x1xf32> to vector<128x128xf32>
      %add3A_699 = vector.broadcast %broadcast_in_dim3A_697 : vector<1x128xf32> to vector<128x128xf32>
      %add3A_700 = arith.addf %add3A_698, %add3A_699 : vector<128x128xf32>
      %slice3A_701 = vector.extract_strided_slice %dot_general3A_40 {offsets = [512, 256], sizes = [128, 128], strides = [1, 1]} : vector<1024x1024xf32> to vector<128x128xf32>
      %sub3A_702 = arith.subf %add3A_700, %slice3A_701 : vector<128x128xf32>
      %add3A_703 = arith.constant 256 : i32
      %add3A_704 = vector.broadcast %add3A_703 : i32 to vector<128x128xi32>
      %add3A_705 = arith.addi %iota3A, %add3A_704 : vector<128x128xi32>
      %mul3A_706 = arith.constant 1024 : i32
      %mul3A_707 = arith.muli %rem3A_0, %mul3A_706 : i32
      %add3A_708 = vector.broadcast %mul3A_707 : i32 to vector<128x128xi32>
      %add3A_709 = arith.addi %add3A_705, %add3A_708 : vector<128x128xi32>
      %lt3A_710 = arith.cmpf olt, %sub3A_702, %select_n3A_694 : vector<128x128xf32>
      %select_n3A_711 = arith.select %lt3A_710, %sub3A_702, %select_n3A_694 : vector<128x128xi1>, vector<128x128xf32>
      %select_n3A_712 = arith.select %lt3A_710, %add3A_709, %select_n3A_695 : vector<128x128xi1>, vector<128x128xi32>
      %slice3A_713 = vector.extract_strided_slice %get3A_31 {offsets = [384], sizes = [128], strides = [1]} : vector<1024xf32> to vector<128xf32>
      %broadcast_in_dim3A_714 = vector.shape_cast %slice3A_713 : vector<128xf32> to vector<1x128xf32>
      %add3A_715 = vector.broadcast %slice3A_651 : vector<128x1xf32> to vector<128x128xf32>
      %add3A_716 = vector.broadcast %broadcast_in_dim3A_714 : vector<1x128xf32> to vector<128x128xf32>
      %add3A_717 = arith.addf %add3A_715, %add3A_716 : vector<128x128xf32>
      %slice3A_718 = vector.extract_strided_slice %dot_general3A_40 {offsets = [512, 384], sizes = [128, 128], strides = [1, 1]} : vector<1024x1024xf32> to vector<128x128xf32>
      %sub3A_719 = arith.subf %add3A_717, %slice3A_718 : vector<128x128xf32>
      %add3A_720 = arith.constant 384 : i32
      %add3A_721 = vector.broadcast %add3A_720 : i32 to vector<128x128xi32>
      %add3A_722 = arith.addi %iota3A, %add3A_721 : vector<128x128xi32>
      %mul3A_723 = arith.constant 1024 : i32
      %mul3A_724 = arith.muli %rem3A_0, %mul3A_723 : i32
      %add3A_725 = vector.broadcast %mul3A_724 : i32 to vector<128x128xi32>
      %add3A_726 = arith.addi %add3A_722, %add3A_725 : vector<128x128xi32>
      %lt3A_727 = arith.cmpf olt, %sub3A_719, %select_n3A_711 : vector<128x128xf32>
      %select_n3A_728 = arith.select %lt3A_727, %sub3A_719, %select_n3A_711 : vector<128x128xi1>, vector<128x128xf32>
      %select_n3A_729 = arith.select %lt3A_727, %add3A_726, %select_n3A_712 : vector<128x128xi1>, vector<128x128xi32>
      %slice3A_730 = vector.extract_strided_slice %get3A_31 {offsets = [512], sizes = [128], strides = [1]} : vector<1024xf32> to vector<128xf32>
      %broadcast_in_dim3A_731 = vector.shape_cast %slice3A_730 : vector<128xf32> to vector<1x128xf32>
      %add3A_732 = vector.broadcast %slice3A_651 : vector<128x1xf32> to vector<128x128xf32>
      %add3A_733 = vector.broadcast %broadcast_in_dim3A_731 : vector<1x128xf32> to vector<128x128xf32>
      %add3A_734 = arith.addf %add3A_732, %add3A_733 : vector<128x128xf32>
      %slice3A_735 = vector.extract_strided_slice %dot_general3A_40 {offsets = [512, 512], sizes = [128, 128], strides = [1, 1]} : vector<1024x1024xf32> to vector<128x128xf32>
      %sub3A_736 = arith.subf %add3A_734, %slice3A_735 : vector<128x128xf32>
      %add3A_737 = arith.constant 512 : i32
      %add3A_738 = vector.broadcast %add3A_737 : i32 to vector<128x128xi32>
      %add3A_739 = arith.addi %iota3A, %add3A_738 : vector<128x128xi32>
      %mul3A_740 = arith.constant 1024 : i32
      %mul3A_741 = arith.muli %rem3A_0, %mul3A_740 : i32
      %add3A_742 = vector.broadcast %mul3A_741 : i32 to vector<128x128xi32>
      %add3A_743 = arith.addi %add3A_739, %add3A_742 : vector<128x128xi32>
      %lt3A_744 = arith.cmpf olt, %sub3A_736, %select_n3A_728 : vector<128x128xf32>
      %select_n3A_745 = arith.select %lt3A_744, %sub3A_736, %select_n3A_728 : vector<128x128xi1>, vector<128x128xf32>
      %select_n3A_746 = arith.select %lt3A_744, %add3A_743, %select_n3A_729 : vector<128x128xi1>, vector<128x128xi32>
      %slice3A_747 = vector.extract_strided_slice %get3A_31 {offsets = [640], sizes = [128], strides = [1]} : vector<1024xf32> to vector<128xf32>
      %broadcast_in_dim3A_748 = vector.shape_cast %slice3A_747 : vector<128xf32> to vector<1x128xf32>
      %add3A_749 = vector.broadcast %slice3A_651 : vector<128x1xf32> to vector<128x128xf32>
      %add3A_750 = vector.broadcast %broadcast_in_dim3A_748 : vector<1x128xf32> to vector<128x128xf32>
      %add3A_751 = arith.addf %add3A_749, %add3A_750 : vector<128x128xf32>
      %slice3A_752 = vector.extract_strided_slice %dot_general3A_40 {offsets = [512, 640], sizes = [128, 128], strides = [1, 1]} : vector<1024x1024xf32> to vector<128x128xf32>
      %sub3A_753 = arith.subf %add3A_751, %slice3A_752 : vector<128x128xf32>
      %add3A_754 = arith.constant 640 : i32
      %add3A_755 = vector.broadcast %add3A_754 : i32 to vector<128x128xi32>
      %add3A_756 = arith.addi %iota3A, %add3A_755 : vector<128x128xi32>
      %mul3A_757 = arith.constant 1024 : i32
      %mul3A_758 = arith.muli %rem3A_0, %mul3A_757 : i32
      %add3A_759 = vector.broadcast %mul3A_758 : i32 to vector<128x128xi32>
      %add3A_760 = arith.addi %add3A_756, %add3A_759 : vector<128x128xi32>
      %lt3A_761 = arith.cmpf olt, %sub3A_753, %select_n3A_745 : vector<128x128xf32>
      %select_n3A_762 = arith.select %lt3A_761, %sub3A_753, %select_n3A_745 : vector<128x128xi1>, vector<128x128xf32>
      %select_n3A_763 = arith.select %lt3A_761, %add3A_760, %select_n3A_746 : vector<128x128xi1>, vector<128x128xi32>
      %slice3A_764 = vector.extract_strided_slice %get3A_31 {offsets = [768], sizes = [128], strides = [1]} : vector<1024xf32> to vector<128xf32>
      %broadcast_in_dim3A_765 = vector.shape_cast %slice3A_764 : vector<128xf32> to vector<1x128xf32>
      %add3A_766 = vector.broadcast %slice3A_651 : vector<128x1xf32> to vector<128x128xf32>
      %add3A_767 = vector.broadcast %broadcast_in_dim3A_765 : vector<1x128xf32> to vector<128x128xf32>
      %add3A_768 = arith.addf %add3A_766, %add3A_767 : vector<128x128xf32>
      %slice3A_769 = vector.extract_strided_slice %dot_general3A_40 {offsets = [512, 768], sizes = [128, 128], strides = [1, 1]} : vector<1024x1024xf32> to vector<128x128xf32>
      %sub3A_770 = arith.subf %add3A_768, %slice3A_769 : vector<128x128xf32>
      %add3A_771 = arith.constant 768 : i32
      %add3A_772 = vector.broadcast %add3A_771 : i32 to vector<128x128xi32>
      %add3A_773 = arith.addi %iota3A, %add3A_772 : vector<128x128xi32>
      %mul3A_774 = arith.constant 1024 : i32
      %mul3A_775 = arith.muli %rem3A_0, %mul3A_774 : i32
      %add3A_776 = vector.broadcast %mul3A_775 : i32 to vector<128x128xi32>
      %add3A_777 = arith.addi %add3A_773, %add3A_776 : vector<128x128xi32>
      %lt3A_778 = arith.cmpf olt, %sub3A_770, %select_n3A_762 : vector<128x128xf32>
      %select_n3A_779 = arith.select %lt3A_778, %sub3A_770, %select_n3A_762 : vector<128x128xi1>, vector<128x128xf32>
      %select_n3A_780 = arith.select %lt3A_778, %add3A_777, %select_n3A_763 : vector<128x128xi1>, vector<128x128xi32>
      %slice3A_781 = vector.extract_strided_slice %get3A_31 {offsets = [896], sizes = [128], strides = [1]} : vector<1024xf32> to vector<128xf32>
      %broadcast_in_dim3A_782 = vector.shape_cast %slice3A_781 : vector<128xf32> to vector<1x128xf32>
      %add3A_783 = vector.broadcast %slice3A_651 : vector<128x1xf32> to vector<128x128xf32>
      %add3A_784 = vector.broadcast %broadcast_in_dim3A_782 : vector<1x128xf32> to vector<128x128xf32>
      %add3A_785 = arith.addf %add3A_783, %add3A_784 : vector<128x128xf32>
      %slice3A_786 = vector.extract_strided_slice %dot_general3A_40 {offsets = [512, 896], sizes = [128, 128], strides = [1, 1]} : vector<1024x1024xf32> to vector<128x128xf32>
      %sub3A_787 = arith.subf %add3A_785, %slice3A_786 : vector<128x128xf32>
      %add3A_788 = arith.constant 896 : i32
      %add3A_789 = vector.broadcast %add3A_788 : i32 to vector<128x128xi32>
      %add3A_790 = arith.addi %iota3A, %add3A_789 : vector<128x128xi32>
      %mul3A_791 = arith.constant 1024 : i32
      %mul3A_792 = arith.muli %rem3A_0, %mul3A_791 : i32
      %add3A_793 = vector.broadcast %mul3A_792 : i32 to vector<128x128xi32>
      %add3A_794 = arith.addi %add3A_790, %add3A_793 : vector<128x128xi32>
      %lt3A_795 = arith.cmpf olt, %sub3A_787, %select_n3A_779 : vector<128x128xf32>
      %select_n3A_796 = arith.select %lt3A_795, %sub3A_787, %select_n3A_779 : vector<128x128xi1>, vector<128x128xf32>
      %select_n3A_797 = arith.select %lt3A_795, %add3A_794, %select_n3A_780 : vector<128x128xi1>, vector<128x128xi32>
      %swap3A_798 = arith.constant 512 : index
      %swap3A_799 = arith.constant 0 : index
      %swap3A_800 = vector.load %arg7[%swap3A_798, %swap3A_799] : memref<1024x128xf32, #tpu.memory_space<vmem>>, vector<128x128xf32>
      tpu.vector_store %arg7[%swap3A_798, %swap3A_799], %select_n3A_796 {strides = array<i32>} : memref<1024x128xf32, #tpu.memory_space<vmem>>, vector<128x128xf32>,
      %swap3A_801 = arith.constant 512 : index
      %swap3A_802 = arith.constant 0 : index
      %swap3A_803 = vector.load %arg8[%swap3A_801, %swap3A_802] : memref<1024x128xi32, #tpu.memory_space<vmem>>, vector<128x128xi32>
      tpu.vector_store %arg8[%swap3A_801, %swap3A_802], %select_n3A_797 {strides = array<i32>} : memref<1024x128xi32, #tpu.memory_space<vmem>>, vector<128x128xi32>,
      %slice3A_804 = vector.extract_strided_slice %get3A_26 {offsets = [640, 0], sizes = [128, 1], strides = [1, 1]} : vector<1024x1xf32> to vector<128x1xf32>
      %get3A_805 = arith.constant 640 : index
      %get3A_806 = arith.constant 0 : index
      %get3A_807 = vector.load %arg7[%get3A_805, %get3A_806] : memref<1024x128xf32, #tpu.memory_space<vmem>>, vector<128x128xf32>
      %get3A_808 = arith.constant 640 : index
      %get3A_809 = arith.constant 0 : index
      %get3A_810 = vector.load %arg8[%get3A_808, %get3A_809] : memref<1024x128xi32, #tpu.memory_space<vmem>>, vector<128x128xi32>
      %slice3A_811 = vector.extract_strided_slice %get3A_31 {offsets = [0], sizes = [128], strides = [1]} : vector<1024xf32> to vector<128xf32>
      %broadcast_in_dim3A_812 = vector.shape_cast %slice3A_811 : vector<128xf32> to vector<1x128xf32>
      %add3A_813 = vector.broadcast %slice3A_804 : vector<128x1xf32> to vector<128x128xf32>
      %add3A_814 = vector.broadcast %broadcast_in_dim3A_812 : vector<1x128xf32> to vector<128x128xf32>
      %add3A_815 = arith.addf %add3A_813, %add3A_814 : vector<128x128xf32>
      %slice3A_816 = vector.extract_strided_slice %dot_general3A_40 {offsets = [640, 0], sizes = [128, 128], strides = [1, 1]} : vector<1024x1024xf32> to vector<128x128xf32>
      %sub3A_817 = arith.subf %add3A_815, %slice3A_816 : vector<128x128xf32>
      %add3A_818 = arith.constant 0 : i32
      %add3A_819 = vector.broadcast %add3A_818 : i32 to vector<128x128xi32>
      %add3A_820 = arith.addi %iota3A, %add3A_819 : vector<128x128xi32>
      %mul3A_821 = arith.constant 1024 : i32
      %mul3A_822 = arith.muli %rem3A_0, %mul3A_821 : i32
      %add3A_823 = vector.broadcast %mul3A_822 : i32 to vector<128x128xi32>
      %add3A_824 = arith.addi %add3A_820, %add3A_823 : vector<128x128xi32>
      %lt3A_825 = arith.cmpf olt, %sub3A_817, %get3A_807 : vector<128x128xf32>
      %and3A_826 = arith.constant true
      %and3A_827 = arith.andi %or3A, %and3A_826 : i1
      %or3A_828 = vector.broadcast %and3A_827 : i1 to vector<128x128xi1>
      %or3A_829 = arith.ori %lt3A_825, %or3A_828 : vector<128x128xi1>
      %select_n3A_830 = arith.select %or3A_829, %sub3A_817, %get3A_807 : vector<128x128xi1>, vector<128x128xf32>
      %select_n3A_831 = arith.select %or3A_829, %add3A_824, %get3A_810 : vector<128x128xi1>, vector<128x128xi32>
      %slice3A_832 = vector.extract_strided_slice %get3A_31 {offsets = [128], sizes = [128], strides = [1]} : vector<1024xf32> to vector<128xf32>
      %broadcast_in_dim3A_833 = vector.shape_cast %slice3A_832 : vector<128xf32> to vector<1x128xf32>
      %add3A_834 = vector.broadcast %slice3A_804 : vector<128x1xf32> to vector<128x128xf32>
      %add3A_835 = vector.broadcast %broadcast_in_dim3A_833 : vector<1x128xf32> to vector<128x128xf32>
      %add3A_836 = arith.addf %add3A_834, %add3A_835 : vector<128x128xf32>
      %slice3A_837 = vector.extract_strided_slice %dot_general3A_40 {offsets = [640, 128], sizes = [128, 128], strides = [1, 1]} : vector<1024x1024xf32> to vector<128x128xf32>
      %sub3A_838 = arith.subf %add3A_836, %slice3A_837 : vector<128x128xf32>
      %add3A_839 = arith.constant 128 : i32
      %add3A_840 = vector.broadcast %add3A_839 : i32 to vector<128x128xi32>
      %add3A_841 = arith.addi %iota3A, %add3A_840 : vector<128x128xi32>
      %mul3A_842 = arith.constant 1024 : i32
      %mul3A_843 = arith.muli %rem3A_0, %mul3A_842 : i32
      %add3A_844 = vector.broadcast %mul3A_843 : i32 to vector<128x128xi32>
      %add3A_845 = arith.addi %add3A_841, %add3A_844 : vector<128x128xi32>
      %lt3A_846 = arith.cmpf olt, %sub3A_838, %select_n3A_830 : vector<128x128xf32>
      %select_n3A_847 = arith.select %lt3A_846, %sub3A_838, %select_n3A_830 : vector<128x128xi1>, vector<128x128xf32>
      %select_n3A_848 = arith.select %lt3A_846, %add3A_845, %select_n3A_831 : vector<128x128xi1>, vector<128x128xi32>
      %slice3A_849 = vector.extract_strided_slice %get3A_31 {offsets = [256], sizes = [128], strides = [1]} : vector<1024xf32> to vector<128xf32>
      %broadcast_in_dim3A_850 = vector.shape_cast %slice3A_849 : vector<128xf32> to vector<1x128xf32>
      %add3A_851 = vector.broadcast %slice3A_804 : vector<128x1xf32> to vector<128x128xf32>
      %add3A_852 = vector.broadcast %broadcast_in_dim3A_850 : vector<1x128xf32> to vector<128x128xf32>
      %add3A_853 = arith.addf %add3A_851, %add3A_852 : vector<128x128xf32>
      %slice3A_854 = vector.extract_strided_slice %dot_general3A_40 {offsets = [640, 256], sizes = [128, 128], strides = [1, 1]} : vector<1024x1024xf32> to vector<128x128xf32>
      %sub3A_855 = arith.subf %add3A_853, %slice3A_854 : vector<128x128xf32>
      %add3A_856 = arith.constant 256 : i32
      %add3A_857 = vector.broadcast %add3A_856 : i32 to vector<128x128xi32>
      %add3A_858 = arith.addi %iota3A, %add3A_857 : vector<128x128xi32>
      %mul3A_859 = arith.constant 1024 : i32
      %mul3A_860 = arith.muli %rem3A_0, %mul3A_859 : i32
      %add3A_861 = vector.broadcast %mul3A_860 : i32 to vector<128x128xi32>
      %add3A_862 = arith.addi %add3A_858, %add3A_861 : vector<128x128xi32>
      %lt3A_863 = arith.cmpf olt, %sub3A_855, %select_n3A_847 : vector<128x128xf32>
      %select_n3A_864 = arith.select %lt3A_863, %sub3A_855, %select_n3A_847 : vector<128x128xi1>, vector<128x128xf32>
      %select_n3A_865 = arith.select %lt3A_863, %add3A_862, %select_n3A_848 : vector<128x128xi1>, vector<128x128xi32>
      %slice3A_866 = vector.extract_strided_slice %get3A_31 {offsets = [384], sizes = [128], strides = [1]} : vector<1024xf32> to vector<128xf32>
      %broadcast_in_dim3A_867 = vector.shape_cast %slice3A_866 : vector<128xf32> to vector<1x128xf32>
      %add3A_868 = vector.broadcast %slice3A_804 : vector<128x1xf32> to vector<128x128xf32>
      %add3A_869 = vector.broadcast %broadcast_in_dim3A_867 : vector<1x128xf32> to vector<128x128xf32>
      %add3A_870 = arith.addf %add3A_868, %add3A_869 : vector<128x128xf32>
      %slice3A_871 = vector.extract_strided_slice %dot_general3A_40 {offsets = [640, 384], sizes = [128, 128], strides = [1, 1]} : vector<1024x1024xf32> to vector<128x128xf32>
      %sub3A_872 = arith.subf %add3A_870, %slice3A_871 : vector<128x128xf32>
      %add3A_873 = arith.constant 384 : i32
      %add3A_874 = vector.broadcast %add3A_873 : i32 to vector<128x128xi32>
      %add3A_875 = arith.addi %iota3A, %add3A_874 : vector<128x128xi32>
      %mul3A_876 = arith.constant 1024 : i32
      %mul3A_877 = arith.muli %rem3A_0, %mul3A_876 : i32
      %add3A_878 = vector.broadcast %mul3A_877 : i32 to vector<128x128xi32>
      %add3A_879 = arith.addi %add3A_875, %add3A_878 : vector<128x128xi32>
      %lt3A_880 = arith.cmpf olt, %sub3A_872, %select_n3A_864 : vector<128x128xf32>
      %select_n3A_881 = arith.select %lt3A_880, %sub3A_872, %select_n3A_864 : vector<128x128xi1>, vector<128x128xf32>
      %select_n3A_882 = arith.select %lt3A_880, %add3A_879, %select_n3A_865 : vector<128x128xi1>, vector<128x128xi32>
      %slice3A_883 = vector.extract_strided_slice %get3A_31 {offsets = [512], sizes = [128], strides = [1]} : vector<1024xf32> to vector<128xf32>
      %broadcast_in_dim3A_884 = vector.shape_cast %slice3A_883 : vector<128xf32> to vector<1x128xf32>
      %add3A_885 = vector.broadcast %slice3A_804 : vector<128x1xf32> to vector<128x128xf32>
      %add3A_886 = vector.broadcast %broadcast_in_dim3A_884 : vector<1x128xf32> to vector<128x128xf32>
      %add3A_887 = arith.addf %add3A_885, %add3A_886 : vector<128x128xf32>
      %slice3A_888 = vector.extract_strided_slice %dot_general3A_40 {offsets = [640, 512], sizes = [128, 128], strides = [1, 1]} : vector<1024x1024xf32> to vector<128x128xf32>
      %sub3A_889 = arith.subf %add3A_887, %slice3A_888 : vector<128x128xf32>
      %add3A_890 = arith.constant 512 : i32
      %add3A_891 = vector.broadcast %add3A_890 : i32 to vector<128x128xi32>
      %add3A_892 = arith.addi %iota3A, %add3A_891 : vector<128x128xi32>
      %mul3A_893 = arith.constant 1024 : i32
      %mul3A_894 = arith.muli %rem3A_0, %mul3A_893 : i32
      %add3A_895 = vector.broadcast %mul3A_894 : i32 to vector<128x128xi32>
      %add3A_896 = arith.addi %add3A_892, %add3A_895 : vector<128x128xi32>
      %lt3A_897 = arith.cmpf olt, %sub3A_889, %select_n3A_881 : vector<128x128xf32>
      %select_n3A_898 = arith.select %lt3A_897, %sub3A_889, %select_n3A_881 : vector<128x128xi1>, vector<128x128xf32>
      %select_n3A_899 = arith.select %lt3A_897, %add3A_896, %select_n3A_882 : vector<128x128xi1>, vector<128x128xi32>
      %slice3A_900 = vector.extract_strided_slice %get3A_31 {offsets = [640], sizes = [128], strides = [1]} : vector<1024xf32> to vector<128xf32>
      %broadcast_in_dim3A_901 = vector.shape_cast %slice3A_900 : vector<128xf32> to vector<1x128xf32>
      %add3A_902 = vector.broadcast %slice3A_804 : vector<128x1xf32> to vector<128x128xf32>
      %add3A_903 = vector.broadcast %broadcast_in_dim3A_901 : vector<1x128xf32> to vector<128x128xf32>
      %add3A_904 = arith.addf %add3A_902, %add3A_903 : vector<128x128xf32>
      %slice3A_905 = vector.extract_strided_slice %dot_general3A_40 {offsets = [640, 640], sizes = [128, 128], strides = [1, 1]} : vector<1024x1024xf32> to vector<128x128xf32>
      %sub3A_906 = arith.subf %add3A_904, %slice3A_905 : vector<128x128xf32>
      %add3A_907 = arith.constant 640 : i32
      %add3A_908 = vector.broadcast %add3A_907 : i32 to vector<128x128xi32>
      %add3A_909 = arith.addi %iota3A, %add3A_908 : vector<128x128xi32>
      %mul3A_910 = arith.constant 1024 : i32
      %mul3A_911 = arith.muli %rem3A_0, %mul3A_910 : i32
      %add3A_912 = vector.broadcast %mul3A_911 : i32 to vector<128x128xi32>
      %add3A_913 = arith.addi %add3A_909, %add3A_912 : vector<128x128xi32>
      %lt3A_914 = arith.cmpf olt, %sub3A_906, %select_n3A_898 : vector<128x128xf32>
      %select_n3A_915 = arith.select %lt3A_914, %sub3A_906, %select_n3A_898 : vector<128x128xi1>, vector<128x128xf32>
      %select_n3A_916 = arith.select %lt3A_914, %add3A_913, %select_n3A_899 : vector<128x128xi1>, vector<128x128xi32>
      %slice3A_917 = vector.extract_strided_slice %get3A_31 {offsets = [768], sizes = [128], strides = [1]} : vector<1024xf32> to vector<128xf32>
      %broadcast_in_dim3A_918 = vector.shape_cast %slice3A_917 : vector<128xf32> to vector<1x128xf32>
      %add3A_919 = vector.broadcast %slice3A_804 : vector<128x1xf32> to vector<128x128xf32>
      %add3A_920 = vector.broadcast %broadcast_in_dim3A_918 : vector<1x128xf32> to vector<128x128xf32>
      %add3A_921 = arith.addf %add3A_919, %add3A_920 : vector<128x128xf32>
      %slice3A_922 = vector.extract_strided_slice %dot_general3A_40 {offsets = [640, 768], sizes = [128, 128], strides = [1, 1]} : vector<1024x1024xf32> to vector<128x128xf32>
      %sub3A_923 = arith.subf %add3A_921, %slice3A_922 : vector<128x128xf32>
      %add3A_924 = arith.constant 768 : i32
      %add3A_925 = vector.broadcast %add3A_924 : i32 to vector<128x128xi32>
      %add3A_926 = arith.addi %iota3A, %add3A_925 : vector<128x128xi32>
      %mul3A_927 = arith.constant 1024 : i32
      %mul3A_928 = arith.muli %rem3A_0, %mul3A_927 : i32
      %add3A_929 = vector.broadcast %mul3A_928 : i32 to vector<128x128xi32>
      %add3A_930 = arith.addi %add3A_926, %add3A_929 : vector<128x128xi32>
      %lt3A_931 = arith.cmpf olt, %sub3A_923, %select_n3A_915 : vector<128x128xf32>
      %select_n3A_932 = arith.select %lt3A_931, %sub3A_923, %select_n3A_915 : vector<128x128xi1>, vector<128x128xf32>
      %select_n3A_933 = arith.select %lt3A_931, %add3A_930, %select_n3A_916 : vector<128x128xi1>, vector<128x128xi32>
      %slice3A_934 = vector.extract_strided_slice %get3A_31 {offsets = [896], sizes = [128], strides = [1]} : vector<1024xf32> to vector<128xf32>
      %broadcast_in_dim3A_935 = vector.shape_cast %slice3A_934 : vector<128xf32> to vector<1x128xf32>
      %add3A_936 = vector.broadcast %slice3A_804 : vector<128x1xf32> to vector<128x128xf32>
      %add3A_937 = vector.broadcast %broadcast_in_dim3A_935 : vector<1x128xf32> to vector<128x128xf32>
      %add3A_938 = arith.addf %add3A_936, %add3A_937 : vector<128x128xf32>
      %slice3A_939 = vector.extract_strided_slice %dot_general3A_40 {offsets = [640, 896], sizes = [128, 128], strides = [1, 1]} : vector<1024x1024xf32> to vector<128x128xf32>
      %sub3A_940 = arith.subf %add3A_938, %slice3A_939 : vector<128x128xf32>
      %add3A_941 = arith.constant 896 : i32
      %add3A_942 = vector.broadcast %add3A_941 : i32 to vector<128x128xi32>
      %add3A_943 = arith.addi %iota3A, %add3A_942 : vector<128x128xi32>
      %mul3A_944 = arith.constant 1024 : i32
      %mul3A_945 = arith.muli %rem3A_0, %mul3A_944 : i32
      %add3A_946 = vector.broadcast %mul3A_945 : i32 to vector<128x128xi32>
      %add3A_947 = arith.addi %add3A_943, %add3A_946 : vector<128x128xi32>
      %lt3A_948 = arith.cmpf olt, %sub3A_940, %select_n3A_932 : vector<128x128xf32>
      %select_n3A_949 = arith.select %lt3A_948, %sub3A_940, %select_n3A_932 : vector<128x128xi1>, vector<128x128xf32>
      %select_n3A_950 = arith.select %lt3A_948, %add3A_947, %select_n3A_933 : vector<128x128xi1>, vector<128x128xi32>
      %swap3A_951 = arith.constant 640 : index
      %swap3A_952 = arith.constant 0 : index
      %swap3A_953 = vector.load %arg7[%swap3A_951, %swap3A_952] : memref<1024x128xf32, #tpu.memory_space<vmem>>, vector<128x128xf32>
      tpu.vector_store %arg7[%swap3A_951, %swap3A_952], %select_n3A_949 {strides = array<i32>} : memref<1024x128xf32, #tpu.memory_space<vmem>>, vector<128x128xf32>,
      %swap3A_954 = arith.constant 640 : index
      %swap3A_955 = arith.constant 0 : index
      %swap3A_956 = vector.load %arg8[%swap3A_954, %swap3A_955] : memref<1024x128xi32, #tpu.memory_space<vmem>>, vector<128x128xi32>
      tpu.vector_store %arg8[%swap3A_954, %swap3A_955], %select_n3A_950 {strides = array<i32>} : memref<1024x128xi32, #tpu.memory_space<vmem>>, vector<128x128xi32>,
      %slice3A_957 = vector.extract_strided_slice %get3A_26 {offsets = [768, 0], sizes = [128, 1], strides = [1, 1]} : vector<1024x1xf32> to vector<128x1xf32>
      %get3A_958 = arith.constant 768 : index
      %get3A_959 = arith.constant 0 : index
      %get3A_960 = vector.load %arg7[%get3A_958, %get3A_959] : memref<1024x128xf32, #tpu.memory_space<vmem>>, vector<128x128xf32>
      %get3A_961 = arith.constant 768 : index
      %get3A_962 = arith.constant 0 : index
      %get3A_963 = vector.load %arg8[%get3A_961, %get3A_962] : memref<1024x128xi32, #tpu.memory_space<vmem>>, vector<128x128xi32>
      %slice3A_964 = vector.extract_strided_slice %get3A_31 {offsets = [0], sizes = [128], strides = [1]} : vector<1024xf32> to vector<128xf32>
      %broadcast_in_dim3A_965 = vector.shape_cast %slice3A_964 : vector<128xf32> to vector<1x128xf32>
      %add3A_966 = vector.broadcast %slice3A_957 : vector<128x1xf32> to vector<128x128xf32>
      %add3A_967 = vector.broadcast %broadcast_in_dim3A_965 : vector<1x128xf32> to vector<128x128xf32>
      %add3A_968 = arith.addf %add3A_966, %add3A_967 : vector<128x128xf32>
      %slice3A_969 = vector.extract_strided_slice %dot_general3A_40 {offsets = [768, 0], sizes = [128, 128], strides = [1, 1]} : vector<1024x1024xf32> to vector<128x128xf32>
      %sub3A_970 = arith.subf %add3A_968, %slice3A_969 : vector<128x128xf32>
      %add3A_971 = arith.constant 0 : i32
      %add3A_972 = vector.broadcast %add3A_971 : i32 to vector<128x128xi32>
      %add3A_973 = arith.addi %iota3A, %add3A_972 : vector<128x128xi32>
      %mul3A_974 = arith.constant 1024 : i32
      %mul3A_975 = arith.muli %rem3A_0, %mul3A_974 : i32
      %add3A_976 = vector.broadcast %mul3A_975 : i32 to vector<128x128xi32>
      %add3A_977 = arith.addi %add3A_973, %add3A_976 : vector<128x128xi32>
      %lt3A_978 = arith.cmpf olt, %sub3A_970, %get3A_960 : vector<128x128xf32>
      %and3A_979 = arith.constant true
      %and3A_980 = arith.andi %or3A, %and3A_979 : i1
      %or3A_981 = vector.broadcast %and3A_980 : i1 to vector<128x128xi1>
      %or3A_982 = arith.ori %lt3A_978, %or3A_981 : vector<128x128xi1>
      %select_n3A_983 = arith.select %or3A_982, %sub3A_970, %get3A_960 : vector<128x128xi1>, vector<128x128xf32>
      %select_n3A_984 = arith.select %or3A_982, %add3A_977, %get3A_963 : vector<128x128xi1>, vector<128x128xi32>
      %slice3A_985 = vector.extract_strided_slice %get3A_31 {offsets = [128], sizes = [128], strides = [1]} : vector<1024xf32> to vector<128xf32>
      %broadcast_in_dim3A_986 = vector.shape_cast %slice3A_985 : vector<128xf32> to vector<1x128xf32>
      %add3A_987 = vector.broadcast %slice3A_957 : vector<128x1xf32> to vector<128x128xf32>
      %add3A_988 = vector.broadcast %broadcast_in_dim3A_986 : vector<1x128xf32> to vector<128x128xf32>
      %add3A_989 = arith.addf %add3A_987, %add3A_988 : vector<128x128xf32>
      %slice3A_990 = vector.extract_strided_slice %dot_general3A_40 {offsets = [768, 128], sizes = [128, 128], strides = [1, 1]} : vector<1024x1024xf32> to vector<128x128xf32>
      %sub3A_991 = arith.subf %add3A_989, %slice3A_990 : vector<128x128xf32>
      %add3A_992 = arith.constant 128 : i32
      %add3A_993 = vector.broadcast %add3A_992 : i32 to vector<128x128xi32>
      %add3A_994 = arith.addi %iota3A, %add3A_993 : vector<128x128xi32>
      %mul3A_995 = arith.constant 1024 : i32
      %mul3A_996 = arith.muli %rem3A_0, %mul3A_995 : i32
      %add3A_997 = vector.broadcast %mul3A_996 : i32 to vector<128x128xi32>
      %add3A_998 = arith.addi %add3A_994, %add3A_997 : vector<128x128xi32>
      %lt3A_999 = arith.cmpf olt, %sub3A_991, %select_n3A_983 : vector<128x128xf32>
      %select_n3A_1000 = arith.select %lt3A_999, %sub3A_991, %select_n3A_983 : vector<128x128xi1>, vector<128x128xf32>
      %select_n3A_1001 = arith.select %lt3A_999, %add3A_998, %select_n3A_984 : vector<128x128xi1>, vector<128x128xi32>
      %slice3A_1002 = vector.extract_strided_slice %get3A_31 {offsets = [256], sizes = [128], strides = [1]} : vector<1024xf32> to vector<128xf32>
      %broadcast_in_dim3A_1003 = vector.shape_cast %slice3A_1002 : vector<128xf32> to vector<1x128xf32>
      %add3A_1004 = vector.broadcast %slice3A_957 : vector<128x1xf32> to vector<128x128xf32>
      %add3A_1005 = vector.broadcast %broadcast_in_dim3A_1003 : vector<1x128xf32> to vector<128x128xf32>
      %add3A_1006 = arith.addf %add3A_1004, %add3A_1005 : vector<128x128xf32>
      %slice3A_1007 = vector.extract_strided_slice %dot_general3A_40 {offsets = [768, 256], sizes = [128, 128], strides = [1, 1]} : vector<1024x1024xf32> to vector<128x128xf32>
      %sub3A_1008 = arith.subf %add3A_1006, %slice3A_1007 : vector<128x128xf32>
      %add3A_1009 = arith.constant 256 : i32
      %add3A_1010 = vector.broadcast %add3A_1009 : i32 to vector<128x128xi32>
      %add3A_1011 = arith.addi %iota3A, %add3A_1010 : vector<128x128xi32>
      %mul3A_1012 = arith.constant 1024 : i32
      %mul3A_1013 = arith.muli %rem3A_0, %mul3A_1012 : i32
      %add3A_1014 = vector.broadcast %mul3A_1013 : i32 to vector<128x128xi32>
      %add3A_1015 = arith.addi %add3A_1011, %add3A_1014 : vector<128x128xi32>
      %lt3A_1016 = arith.cmpf olt, %sub3A_1008, %select_n3A_1000 : vector<128x128xf32>
      %select_n3A_1017 = arith.select %lt3A_1016, %sub3A_1008, %select_n3A_1000 : vector<128x128xi1>, vector<128x128xf32>
      %select_n3A_1018 = arith.select %lt3A_1016, %add3A_1015, %select_n3A_1001 : vector<128x128xi1>, vector<128x128xi32>
      %slice3A_1019 = vector.extract_strided_slice %get3A_31 {offsets = [384], sizes = [128], strides = [1]} : vector<1024xf32> to vector<128xf32>
      %broadcast_in_dim3A_1020 = vector.shape_cast %slice3A_1019 : vector<128xf32> to vector<1x128xf32>
      %add3A_1021 = vector.broadcast %slice3A_957 : vector<128x1xf32> to vector<128x128xf32>
      %add3A_1022 = vector.broadcast %broadcast_in_dim3A_1020 : vector<1x128xf32> to vector<128x128xf32>
      %add3A_1023 = arith.addf %add3A_1021, %add3A_1022 : vector<128x128xf32>
      %slice3A_1024 = vector.extract_strided_slice %dot_general3A_40 {offsets = [768, 384], sizes = [128, 128], strides = [1, 1]} : vector<1024x1024xf32> to vector<128x128xf32>
      %sub3A_1025 = arith.subf %add3A_1023, %slice3A_1024 : vector<128x128xf32>
      %add3A_1026 = arith.constant 384 : i32
      %add3A_1027 = vector.broadcast %add3A_1026 : i32 to vector<128x128xi32>
      %add3A_1028 = arith.addi %iota3A, %add3A_1027 : vector<128x128xi32>
      %mul3A_1029 = arith.constant 1024 : i32
      %mul3A_1030 = arith.muli %rem3A_0, %mul3A_1029 : i32
      %add3A_1031 = vector.broadcast %mul3A_1030 : i32 to vector<128x128xi32>
      %add3A_1032 = arith.addi %add3A_1028, %add3A_1031 : vector<128x128xi32>
      %lt3A_1033 = arith.cmpf olt, %sub3A_1025, %select_n3A_1017 : vector<128x128xf32>
      %select_n3A_1034 = arith.select %lt3A_1033, %sub3A_1025, %select_n3A_1017 : vector<128x128xi1>, vector<128x128xf32>
      %select_n3A_1035 = arith.select %lt3A_1033, %add3A_1032, %select_n3A_1018 : vector<128x128xi1>, vector<128x128xi32>
      %slice3A_1036 = vector.extract_strided_slice %get3A_31 {offsets = [512], sizes = [128], strides = [1]} : vector<1024xf32> to vector<128xf32>
      %broadcast_in_dim3A_1037 = vector.shape_cast %slice3A_1036 : vector<128xf32> to vector<1x128xf32>
      %add3A_1038 = vector.broadcast %slice3A_957 : vector<128x1xf32> to vector<128x128xf32>
      %add3A_1039 = vector.broadcast %broadcast_in_dim3A_1037 : vector<1x128xf32> to vector<128x128xf32>
      %add3A_1040 = arith.addf %add3A_1038, %add3A_1039 : vector<128x128xf32>
      %slice3A_1041 = vector.extract_strided_slice %dot_general3A_40 {offsets = [768, 512], sizes = [128, 128], strides = [1, 1]} : vector<1024x1024xf32> to vector<128x128xf32>
      %sub3A_1042 = arith.subf %add3A_1040, %slice3A_1041 : vector<128x128xf32>
      %add3A_1043 = arith.constant 512 : i32
      %add3A_1044 = vector.broadcast %add3A_1043 : i32 to vector<128x128xi32>
      %add3A_1045 = arith.addi %iota3A, %add3A_1044 : vector<128x128xi32>
      %mul3A_1046 = arith.constant 1024 : i32
      %mul3A_1047 = arith.muli %rem3A_0, %mul3A_1046 : i32
      %add3A_1048 = vector.broadcast %mul3A_1047 : i32 to vector<128x128xi32>
      %add3A_1049 = arith.addi %add3A_1045, %add3A_1048 : vector<128x128xi32>
      %lt3A_1050 = arith.cmpf olt, %sub3A_1042, %select_n3A_1034 : vector<128x128xf32>
      %select_n3A_1051 = arith.select %lt3A_1050, %sub3A_1042, %select_n3A_1034 : vector<128x128xi1>, vector<128x128xf32>
      %select_n3A_1052 = arith.select %lt3A_1050, %add3A_1049, %select_n3A_1035 : vector<128x128xi1>, vector<128x128xi32>
      %slice3A_1053 = vector.extract_strided_slice %get3A_31 {offsets = [640], sizes = [128], strides = [1]} : vector<1024xf32> to vector<128xf32>
      %broadcast_in_dim3A_1054 = vector.shape_cast %slice3A_1053 : vector<128xf32> to vector<1x128xf32>
      %add3A_1055 = vector.broadcast %slice3A_957 : vector<128x1xf32> to vector<128x128xf32>
      %add3A_1056 = vector.broadcast %broadcast_in_dim3A_1054 : vector<1x128xf32> to vector<128x128xf32>
      %add3A_1057 = arith.addf %add3A_1055, %add3A_1056 : vector<128x128xf32>
      %slice3A_1058 = vector.extract_strided_slice %dot_general3A_40 {offsets = [768, 640], sizes = [128, 128], strides = [1, 1]} : vector<1024x1024xf32> to vector<128x128xf32>
      %sub3A_1059 = arith.subf %add3A_1057, %slice3A_1058 : vector<128x128xf32>
      %add3A_1060 = arith.constant 640 : i32
      %add3A_1061 = vector.broadcast %add3A_1060 : i32 to vector<128x128xi32>
      %add3A_1062 = arith.addi %iota3A, %add3A_1061 : vector<128x128xi32>
      %mul3A_1063 = arith.constant 1024 : i32
      %mul3A_1064 = arith.muli %rem3A_0, %mul3A_1063 : i32
      %add3A_1065 = vector.broadcast %mul3A_1064 : i32 to vector<128x128xi32>
      %add3A_1066 = arith.addi %add3A_1062, %add3A_1065 : vector<128x128xi32>
      %lt3A_1067 = arith.cmpf olt, %sub3A_1059, %select_n3A_1051 : vector<128x128xf32>
      %select_n3A_1068 = arith.select %lt3A_1067, %sub3A_1059, %select_n3A_1051 : vector<128x128xi1>, vector<128x128xf32>
      %select_n3A_1069 = arith.select %lt3A_1067, %add3A_1066, %select_n3A_1052 : vector<128x128xi1>, vector<128x128xi32>
      %slice3A_1070 = vector.extract_strided_slice %get3A_31 {offsets = [768], sizes = [128], strides = [1]} : vector<1024xf32> to vector<128xf32>
      %broadcast_in_dim3A_1071 = vector.shape_cast %slice3A_1070 : vector<128xf32> to vector<1x128xf32>
      %add3A_1072 = vector.broadcast %slice3A_957 : vector<128x1xf32> to vector<128x128xf32>
      %add3A_1073 = vector.broadcast %broadcast_in_dim3A_1071 : vector<1x128xf32> to vector<128x128xf32>
      %add3A_1074 = arith.addf %add3A_1072, %add3A_1073 : vector<128x128xf32>
      %slice3A_1075 = vector.extract_strided_slice %dot_general3A_40 {offsets = [768, 768], sizes = [128, 128], strides = [1, 1]} : vector<1024x1024xf32> to vector<128x128xf32>
      %sub3A_1076 = arith.subf %add3A_1074, %slice3A_1075 : vector<128x128xf32>
      %add3A_1077 = arith.constant 768 : i32
      %add3A_1078 = vector.broadcast %add3A_1077 : i32 to vector<128x128xi32>
      %add3A_1079 = arith.addi %iota3A, %add3A_1078 : vector<128x128xi32>
      %mul3A_1080 = arith.constant 1024 : i32
      %mul3A_1081 = arith.muli %rem3A_0, %mul3A_1080 : i32
      %add3A_1082 = vector.broadcast %mul3A_1081 : i32 to vector<128x128xi32>
      %add3A_1083 = arith.addi %add3A_1079, %add3A_1082 : vector<128x128xi32>
      %lt3A_1084 = arith.cmpf olt, %sub3A_1076, %select_n3A_1068 : vector<128x128xf32>
      %select_n3A_1085 = arith.select %lt3A_1084, %sub3A_1076, %select_n3A_1068 : vector<128x128xi1>, vector<128x128xf32>
      %select_n3A_1086 = arith.select %lt3A_1084, %add3A_1083, %select_n3A_1069 : vector<128x128xi1>, vector<128x128xi32>
      %slice3A_1087 = vector.extract_strided_slice %get3A_31 {offsets = [896], sizes = [128], strides = [1]} : vector<1024xf32> to vector<128xf32>
      %broadcast_in_dim3A_1088 = vector.shape_cast %slice3A_1087 : vector<128xf32> to vector<1x128xf32>
      %add3A_1089 = vector.broadcast %slice3A_957 : vector<128x1xf32> to vector<128x128xf32>
      %add3A_1090 = vector.broadcast %broadcast_in_dim3A_1088 : vector<1x128xf32> to vector<128x128xf32>
      %add3A_1091 = arith.addf %add3A_1089, %add3A_1090 : vector<128x128xf32>
      %slice3A_1092 = vector.extract_strided_slice %dot_general3A_40 {offsets = [768, 896], sizes = [128, 128], strides = [1, 1]} : vector<1024x1024xf32> to vector<128x128xf32>
      %sub3A_1093 = arith.subf %add3A_1091, %slice3A_1092 : vector<128x128xf32>
      %add3A_1094 = arith.constant 896 : i32
      %add3A_1095 = vector.broadcast %add3A_1094 : i32 to vector<128x128xi32>
      %add3A_1096 = arith.addi %iota3A, %add3A_1095 : vector<128x128xi32>
      %mul3A_1097 = arith.constant 1024 : i32
      %mul3A_1098 = arith.muli %rem3A_0, %mul3A_1097 : i32
      %add3A_1099 = vector.broadcast %mul3A_1098 : i32 to vector<128x128xi32>
      %add3A_1100 = arith.addi %add3A_1096, %add3A_1099 : vector<128x128xi32>
      %lt3A_1101 = arith.cmpf olt, %sub3A_1093, %select_n3A_1085 : vector<128x128xf32>
      %select_n3A_1102 = arith.select %lt3A_1101, %sub3A_1093, %select_n3A_1085 : vector<128x128xi1>, vector<128x128xf32>
      %select_n3A_1103 = arith.select %lt3A_1101, %add3A_1100, %select_n3A_1086 : vector<128x128xi1>, vector<128x128xi32>
      %swap3A_1104 = arith.constant 768 : index
      %swap3A_1105 = arith.constant 0 : index
      %swap3A_1106 = vector.load %arg7[%swap3A_1104, %swap3A_1105] : memref<1024x128xf32, #tpu.memory_space<vmem>>, vector<128x128xf32>
      tpu.vector_store %arg7[%swap3A_1104, %swap3A_1105], %select_n3A_1102 {strides = array<i32>} : memref<1024x128xf32, #tpu.memory_space<vmem>>, vector<128x128xf32>,
      %swap3A_1107 = arith.constant 768 : index
      %swap3A_1108 = arith.constant 0 : index
      %swap3A_1109 = vector.load %arg8[%swap3A_1107, %swap3A_1108] : memref<1024x128xi32, #tpu.memory_space<vmem>>, vector<128x128xi32>
      tpu.vector_store %arg8[%swap3A_1107, %swap3A_1108], %select_n3A_1103 {strides = array<i32>} : memref<1024x128xi32, #tpu.memory_space<vmem>>, vector<128x128xi32>,
      %slice3A_1110 = vector.extract_strided_slice %get3A_26 {offsets = [896, 0], sizes = [128, 1], strides = [1, 1]} : vector<1024x1xf32> to vector<128x1xf32>
      %get3A_1111 = arith.constant 896 : index
      %get3A_1112 = arith.constant 0 : index
      %get3A_1113 = vector.load %arg7[%get3A_1111, %get3A_1112] : memref<1024x128xf32, #tpu.memory_space<vmem>>, vector<128x128xf32>
      %get3A_1114 = arith.constant 896 : index
      %get3A_1115 = arith.constant 0 : index
      %get3A_1116 = vector.load %arg8[%get3A_1114, %get3A_1115] : memref<1024x128xi32, #tpu.memory_space<vmem>>, vector<128x128xi32>
      %slice3A_1117 = vector.extract_strided_slice %get3A_31 {offsets = [0], sizes = [128], strides = [1]} : vector<1024xf32> to vector<128xf32>
      %broadcast_in_dim3A_1118 = vector.shape_cast %slice3A_1117 : vector<128xf32> to vector<1x128xf32>
      %add3A_1119 = vector.broadcast %slice3A_1110 : vector<128x1xf32> to vector<128x128xf32>
      %add3A_1120 = vector.broadcast %broadcast_in_dim3A_1118 : vector<1x128xf32> to vector<128x128xf32>
      %add3A_1121 = arith.addf %add3A_1119, %add3A_1120 : vector<128x128xf32>
      %slice3A_1122 = vector.extract_strided_slice %dot_general3A_40 {offsets = [896, 0], sizes = [128, 128], strides = [1, 1]} : vector<1024x1024xf32> to vector<128x128xf32>
      %sub3A_1123 = arith.subf %add3A_1121, %slice3A_1122 : vector<128x128xf32>
      %add3A_1124 = arith.constant 0 : i32
      %add3A_1125 = vector.broadcast %add3A_1124 : i32 to vector<128x128xi32>
      %add3A_1126 = arith.addi %iota3A, %add3A_1125 : vector<128x128xi32>
      %mul3A_1127 = arith.constant 1024 : i32
      %mul3A_1128 = arith.muli %rem3A_0, %mul3A_1127 : i32
      %add3A_1129 = vector.broadcast %mul3A_1128 : i32 to vector<128x128xi32>
      %add3A_1130 = arith.addi %add3A_1126, %add3A_1129 : vector<128x128xi32>
      %lt3A_1131 = arith.cmpf olt, %sub3A_1123, %get3A_1113 : vector<128x128xf32>
      %and3A_1132 = arith.constant true
      %and3A_1133 = arith.andi %or3A, %and3A_1132 : i1
      %or3A_1134 = vector.broadcast %and3A_1133 : i1 to vector<128x128xi1>
      %or3A_1135 = arith.ori %lt3A_1131, %or3A_1134 : vector<128x128xi1>
      %select_n3A_1136 = arith.select %or3A_1135, %sub3A_1123, %get3A_1113 : vector<128x128xi1>, vector<128x128xf32>
      %select_n3A_1137 = arith.select %or3A_1135, %add3A_1130, %get3A_1116 : vector<128x128xi1>, vector<128x128xi32>
      %slice3A_1138 = vector.extract_strided_slice %get3A_31 {offsets = [128], sizes = [128], strides = [1]} : vector<1024xf32> to vector<128xf32>
      %broadcast_in_dim3A_1139 = vector.shape_cast %slice3A_1138 : vector<128xf32> to vector<1x128xf32>
      %add3A_1140 = vector.broadcast %slice3A_1110 : vector<128x1xf32> to vector<128x128xf32>
      %add3A_1141 = vector.broadcast %broadcast_in_dim3A_1139 : vector<1x128xf32> to vector<128x128xf32>
      %add3A_1142 = arith.addf %add3A_1140, %add3A_1141 : vector<128x128xf32>
      %slice3A_1143 = vector.extract_strided_slice %dot_general3A_40 {offsets = [896, 128], sizes = [128, 128], strides = [1, 1]} : vector<1024x1024xf32> to vector<128x128xf32>
      %sub3A_1144 = arith.subf %add3A_1142, %slice3A_1143 : vector<128x128xf32>
      %add3A_1145 = arith.constant 128 : i32
      %add3A_1146 = vector.broadcast %add3A_1145 : i32 to vector<128x128xi32>
      %add3A_1147 = arith.addi %iota3A, %add3A_1146 : vector<128x128xi32>
      %mul3A_1148 = arith.constant 1024 : i32
      %mul3A_1149 = arith.muli %rem3A_0, %mul3A_1148 : i32
      %add3A_1150 = vector.broadcast %mul3A_1149 : i32 to vector<128x128xi32>
      %add3A_1151 = arith.addi %add3A_1147, %add3A_1150 : vector<128x128xi32>
      %lt3A_1152 = arith.cmpf olt, %sub3A_1144, %select_n3A_1136 : vector<128x128xf32>
      %select_n3A_1153 = arith.select %lt3A_1152, %sub3A_1144, %select_n3A_1136 : vector<128x128xi1>, vector<128x128xf32>
      %select_n3A_1154 = arith.select %lt3A_1152, %add3A_1151, %select_n3A_1137 : vector<128x128xi1>, vector<128x128xi32>
      %slice3A_1155 = vector.extract_strided_slice %get3A_31 {offsets = [256], sizes = [128], strides = [1]} : vector<1024xf32> to vector<128xf32>
      %broadcast_in_dim3A_1156 = vector.shape_cast %slice3A_1155 : vector<128xf32> to vector<1x128xf32>
      %add3A_1157 = vector.broadcast %slice3A_1110 : vector<128x1xf32> to vector<128x128xf32>
      %add3A_1158 = vector.broadcast %broadcast_in_dim3A_1156 : vector<1x128xf32> to vector<128x128xf32>
      %add3A_1159 = arith.addf %add3A_1157, %add3A_1158 : vector<128x128xf32>
      %slice3A_1160 = vector.extract_strided_slice %dot_general3A_40 {offsets = [896, 256], sizes = [128, 128], strides = [1, 1]} : vector<1024x1024xf32> to vector<128x128xf32>
      %sub3A_1161 = arith.subf %add3A_1159, %slice3A_1160 : vector<128x128xf32>
      %add3A_1162 = arith.constant 256 : i32
      %add3A_1163 = vector.broadcast %add3A_1162 : i32 to vector<128x128xi32>
      %add3A_1164 = arith.addi %iota3A, %add3A_1163 : vector<128x128xi32>
      %mul3A_1165 = arith.constant 1024 : i32
      %mul3A_1166 = arith.muli %rem3A_0, %mul3A_1165 : i32
      %add3A_1167 = vector.broadcast %mul3A_1166 : i32 to vector<128x128xi32>
      %add3A_1168 = arith.addi %add3A_1164, %add3A_1167 : vector<128x128xi32>
      %lt3A_1169 = arith.cmpf olt, %sub3A_1161, %select_n3A_1153 : vector<128x128xf32>
      %select_n3A_1170 = arith.select %lt3A_1169, %sub3A_1161, %select_n3A_1153 : vector<128x128xi1>, vector<128x128xf32>
      %select_n3A_1171 = arith.select %lt3A_1169, %add3A_1168, %select_n3A_1154 : vector<128x128xi1>, vector<128x128xi32>
      %slice3A_1172 = vector.extract_strided_slice %get3A_31 {offsets = [384], sizes = [128], strides = [1]} : vector<1024xf32> to vector<128xf32>
      %broadcast_in_dim3A_1173 = vector.shape_cast %slice3A_1172 : vector<128xf32> to vector<1x128xf32>
      %add3A_1174 = vector.broadcast %slice3A_1110 : vector<128x1xf32> to vector<128x128xf32>
      %add3A_1175 = vector.broadcast %broadcast_in_dim3A_1173 : vector<1x128xf32> to vector<128x128xf32>
      %add3A_1176 = arith.addf %add3A_1174, %add3A_1175 : vector<128x128xf32>
      %slice3A_1177 = vector.extract_strided_slice %dot_general3A_40 {offsets = [896, 384], sizes = [128, 128], strides = [1, 1]} : vector<1024x1024xf32> to vector<128x128xf32>
      %sub3A_1178 = arith.subf %add3A_1176, %slice3A_1177 : vector<128x128xf32>
      %add3A_1179 = arith.constant 384 : i32
      %add3A_1180 = vector.broadcast %add3A_1179 : i32 to vector<128x128xi32>
      %add3A_1181 = arith.addi %iota3A, %add3A_1180 : vector<128x128xi32>
      %mul3A_1182 = arith.constant 1024 : i32
      %mul3A_1183 = arith.muli %rem3A_0, %mul3A_1182 : i32
      %add3A_1184 = vector.broadcast %mul3A_1183 : i32 to vector<128x128xi32>
      %add3A_1185 = arith.addi %add3A_1181, %add3A_1184 : vector<128x128xi32>
      %lt3A_1186 = arith.cmpf olt, %sub3A_1178, %select_n3A_1170 : vector<128x128xf32>
      %select_n3A_1187 = arith.select %lt3A_1186, %sub3A_1178, %select_n3A_1170 : vector<128x128xi1>, vector<128x128xf32>
      %select_n3A_1188 = arith.select %lt3A_1186, %add3A_1185, %select_n3A_1171 : vector<128x128xi1>, vector<128x128xi32>
      %slice3A_1189 = vector.extract_strided_slice %get3A_31 {offsets = [512], sizes = [128], strides = [1]} : vector<1024xf32> to vector<128xf32>
      %broadcast_in_dim3A_1190 = vector.shape_cast %slice3A_1189 : vector<128xf32> to vector<1x128xf32>
      %add3A_1191 = vector.broadcast %slice3A_1110 : vector<128x1xf32> to vector<128x128xf32>
      %add3A_1192 = vector.broadcast %broadcast_in_dim3A_1190 : vector<1x128xf32> to vector<128x128xf32>
      %add3A_1193 = arith.addf %add3A_1191, %add3A_1192 : vector<128x128xf32>
      %slice3A_1194 = vector.extract_strided_slice %dot_general3A_40 {offsets = [896, 512], sizes = [128, 128], strides = [1, 1]} : vector<1024x1024xf32> to vector<128x128xf32>
      %sub3A_1195 = arith.subf %add3A_1193, %slice3A_1194 : vector<128x128xf32>
      %add3A_1196 = arith.constant 512 : i32
      %add3A_1197 = vector.broadcast %add3A_1196 : i32 to vector<128x128xi32>
      %add3A_1198 = arith.addi %iota3A, %add3A_1197 : vector<128x128xi32>
      %mul3A_1199 = arith.constant 1024 : i32
      %mul3A_1200 = arith.muli %rem3A_0, %mul3A_1199 : i32
      %add3A_1201 = vector.broadcast %mul3A_1200 : i32 to vector<128x128xi32>
      %add3A_1202 = arith.addi %add3A_1198, %add3A_1201 : vector<128x128xi32>
      %lt3A_1203 = arith.cmpf olt, %sub3A_1195, %select_n3A_1187 : vector<128x128xf32>
      %select_n3A_1204 = arith.select %lt3A_1203, %sub3A_1195, %select_n3A_1187 : vector<128x128xi1>, vector<128x128xf32>
      %select_n3A_1205 = arith.select %lt3A_1203, %add3A_1202, %select_n3A_1188 : vector<128x128xi1>, vector<128x128xi32>
      %slice3A_1206 = vector.extract_strided_slice %get3A_31 {offsets = [640], sizes = [128], strides = [1]} : vector<1024xf32> to vector<128xf32>
      %broadcast_in_dim3A_1207 = vector.shape_cast %slice3A_1206 : vector<128xf32> to vector<1x128xf32>
      %add3A_1208 = vector.broadcast %slice3A_1110 : vector<128x1xf32> to vector<128x128xf32>
      %add3A_1209 = vector.broadcast %broadcast_in_dim3A_1207 : vector<1x128xf32> to vector<128x128xf32>
      %add3A_1210 = arith.addf %add3A_1208, %add3A_1209 : vector<128x128xf32>
      %slice3A_1211 = vector.extract_strided_slice %dot_general3A_40 {offsets = [896, 640], sizes = [128, 128], strides = [1, 1]} : vector<1024x1024xf32> to vector<128x128xf32>
      %sub3A_1212 = arith.subf %add3A_1210, %slice3A_1211 : vector<128x128xf32>
      %add3A_1213 = arith.constant 640 : i32
      %add3A_1214 = vector.broadcast %add3A_1213 : i32 to vector<128x128xi32>
      %add3A_1215 = arith.addi %iota3A, %add3A_1214 : vector<128x128xi32>
      %mul3A_1216 = arith.constant 1024 : i32
      %mul3A_1217 = arith.muli %rem3A_0, %mul3A_1216 : i32
      %add3A_1218 = vector.broadcast %mul3A_1217 : i32 to vector<128x128xi32>
      %add3A_1219 = arith.addi %add3A_1215, %add3A_1218 : vector<128x128xi32>
      %lt3A_1220 = arith.cmpf olt, %sub3A_1212, %select_n3A_1204 : vector<128x128xf32>
      %select_n3A_1221 = arith.select %lt3A_1220, %sub3A_1212, %select_n3A_1204 : vector<128x128xi1>, vector<128x128xf32>
      %select_n3A_1222 = arith.select %lt3A_1220, %add3A_1219, %select_n3A_1205 : vector<128x128xi1>, vector<128x128xi32>
      %slice3A_1223 = vector.extract_strided_slice %get3A_31 {offsets = [768], sizes = [128], strides = [1]} : vector<1024xf32> to vector<128xf32>
      %broadcast_in_dim3A_1224 = vector.shape_cast %slice3A_1223 : vector<128xf32> to vector<1x128xf32>
      %add3A_1225 = vector.broadcast %slice3A_1110 : vector<128x1xf32> to vector<128x128xf32>
      %add3A_1226 = vector.broadcast %broadcast_in_dim3A_1224 : vector<1x128xf32> to vector<128x128xf32>
      %add3A_1227 = arith.addf %add3A_1225, %add3A_1226 : vector<128x128xf32>
      %slice3A_1228 = vector.extract_strided_slice %dot_general3A_40 {offsets = [896, 768], sizes = [128, 128], strides = [1, 1]} : vector<1024x1024xf32> to vector<128x128xf32>
      %sub3A_1229 = arith.subf %add3A_1227, %slice3A_1228 : vector<128x128xf32>
      %add3A_1230 = arith.constant 768 : i32
      %add3A_1231 = vector.broadcast %add3A_1230 : i32 to vector<128x128xi32>
      %add3A_1232 = arith.addi %iota3A, %add3A_1231 : vector<128x128xi32>
      %mul3A_1233 = arith.constant 1024 : i32
      %mul3A_1234 = arith.muli %rem3A_0, %mul3A_1233 : i32
      %add3A_1235 = vector.broadcast %mul3A_1234 : i32 to vector<128x128xi32>
      %add3A_1236 = arith.addi %add3A_1232, %add3A_1235 : vector<128x128xi32>
      %lt3A_1237 = arith.cmpf olt, %sub3A_1229, %select_n3A_1221 : vector<128x128xf32>
      %select_n3A_1238 = arith.select %lt3A_1237, %sub3A_1229, %select_n3A_1221 : vector<128x128xi1>, vector<128x128xf32>
      %select_n3A_1239 = arith.select %lt3A_1237, %add3A_1236, %select_n3A_1222 : vector<128x128xi1>, vector<128x128xi32>
      %slice3A_1240 = vector.extract_strided_slice %get3A_31 {offsets = [896], sizes = [128], strides = [1]} : vector<1024xf32> to vector<128xf32>
      %broadcast_in_dim3A_1241 = vector.shape_cast %slice3A_1240 : vector<128xf32> to vector<1x128xf32>
      %add3A_1242 = vector.broadcast %slice3A_1110 : vector<128x1xf32> to vector<128x128xf32>
      %add3A_1243 = vector.broadcast %broadcast_in_dim3A_1241 : vector<1x128xf32> to vector<128x128xf32>
      %add3A_1244 = arith.addf %add3A_1242, %add3A_1243 : vector<128x128xf32>
      %slice3A_1245 = vector.extract_strided_slice %dot_general3A_40 {offsets = [896, 896], sizes = [128, 128], strides = [1, 1]} : vector<1024x1024xf32> to vector<128x128xf32>
      %sub3A_1246 = arith.subf %add3A_1244, %slice3A_1245 : vector<128x128xf32>
      %add3A_1247 = arith.constant 896 : i32
      %add3A_1248 = vector.broadcast %add3A_1247 : i32 to vector<128x128xi32>
      %add3A_1249 = arith.addi %iota3A, %add3A_1248 : vector<128x128xi32>
      %mul3A_1250 = arith.constant 1024 : i32
      %mul3A_1251 = arith.muli %rem3A_0, %mul3A_1250 : i32
      %add3A_1252 = vector.broadcast %mul3A_1251 : i32 to vector<128x128xi32>
      %add3A_1253 = arith.addi %add3A_1249, %add3A_1252 : vector<128x128xi32>
      %lt3A_1254 = arith.cmpf olt, %sub3A_1246, %select_n3A_1238 : vector<128x128xf32>
      %select_n3A_1255 = arith.select %lt3A_1254, %sub3A_1246, %select_n3A_1238 : vector<128x128xi1>, vector<128x128xf32>
      %select_n3A_1256 = arith.select %lt3A_1254, %add3A_1253, %select_n3A_1239 : vector<128x128xi1>, vector<128x128xi32>
      %swap3A_1257 = arith.constant 896 : index
      %swap3A_1258 = arith.constant 0 : index
      %swap3A_1259 = vector.load %arg7[%swap3A_1257, %swap3A_1258] : memref<1024x128xf32, #tpu.memory_space<vmem>>, vector<128x128xf32>
      tpu.vector_store %arg7[%swap3A_1257, %swap3A_1258], %select_n3A_1255 {strides = array<i32>} : memref<1024x128xf32, #tpu.memory_space<vmem>>, vector<128x128xf32>,
      %swap3A_1260 = arith.constant 896 : index
      %swap3A_1261 = arith.constant 0 : index
      %swap3A_1262 = vector.load %arg8[%swap3A_1260, %swap3A_1261] : memref<1024x128xi32, #tpu.memory_space<vmem>>, vector<128x128xi32>
      tpu.vector_store %arg8[%swap3A_1260, %swap3A_1261], %select_n3A_1256 {strides = array<i32>} : memref<1024x128xi32, #tpu.memory_space<vmem>>, vector<128x128xi32>,
      %eq3A_1263 = arith.constant 3 : i32
      %eq3A_1264 = arith.cmpi eq, %arg1, %eq3A_1263 : i32
      %eq3A_1265 = arith.constant 7 : i32
      %eq3A_1266 = arith.cmpi eq, %arg1, %eq3A_1265 : i32
      %or3A_1267 = arith.ori %eq3A_1264, %eq3A_1266 : i1
      %convert_element_type3A_1268 = arith.extui %or3A_1267 : i1 to i32
      %cond3A_1269 = arith.constant 0 : i32
      %cond3A_1270 = arith.cmpi ne, %convert_element_type3A_1268, %cond3A_1269 : i32
      scf.if %cond3A_1270 {
        %get3A_1271 = arith.constant 0 : index
        %get3A_1272 = arith.constant 0 : index
        %get3A_1273 = vector.load %arg7[%get3A_1271, %get3A_1272] : memref<1024x128xf32, #tpu.memory_space<vmem>>, vector<1024x128xf32>
        %get3A_1274 = arith.constant 0 : index
        %get3A_1275 = arith.constant 0 : index
        %get3A_1276 = vector.load %arg8[%get3A_1274, %get3A_1275] : memref<1024x128xi32, #tpu.memory_space<vmem>>, vector<1024x128xi32>
        %reduce_min3A = arith.constant dense<0x7F800000> : vector<1024xf32>
        %reduce_min3A_1277 = vector.multi_reduction <minimumf>, %get3A_1273, %reduce_min3A [1] : vector<1024x128xf32> to vector<1024xf32>
        %broadcast_in_dim3A_1278 = vector.shape_cast %reduce_min3A_1277 : vector<1024xf32> to vector<1024x1xf32>
        %eq3A_1279 = vector.broadcast %broadcast_in_dim3A_1278 : vector<1024x1xf32> to vector<1024x128xf32>
        %eq3A_1280 = arith.cmpf oeq, %get3A_1273, %eq3A_1279 : vector<1024x128xf32>
        %jit3A = arith.constant 1073741824 : i32
        %broadcast_in_dim3A_1281 = vector.broadcast %jit3A : i32 to vector<1024x128xi32>
        %select_n3A_1282 = arith.select %eq3A_1280, %get3A_1276, %broadcast_in_dim3A_1281 : vector<1024x128xi1>, vector<1024x128xi32>
        %reduce_min3A_1283 = arith.constant dense<2147483647> : vector<1024xi32>
        %reduce_min3A_1284 = vector.multi_reduction <minsi>, %select_n3A_1282, %reduce_min3A_1283 [1] : vector<1024x128xi32> to vector<1024xi32>
        %eq3A_1285 = arith.constant 3 : i32
        %eq3A_1286 = arith.cmpi eq, %arg1, %eq3A_1285 : i32
        %convert_element_type3A_1287 = arith.extui %eq3A_1286 : i1 to i32
        %cond3A_1288 = arith.constant 0 : i32
        %cond3A_1289 = arith.cmpi ne, %convert_element_type3A_1287, %cond3A_1288 : i32
        scf.if %cond3A_1289 {
          %swap3A_1295 = arith.constant 0 : index
          %swap3A_1296 = vector.load %arg9[%swap3A_1295] : memref<1024xf32, #tpu.memory_space<vmem>>, vector<1024xf32>
          tpu.vector_store %arg9[%swap3A_1295], %reduce_min3A_1277 {strides = array<i32>} : memref<1024xf32, #tpu.memory_space<vmem>>, vector<1024xf32>,
          %swap3A_1297 = arith.constant 0 : index
          %swap3A_1298 = vector.load %arg10[%swap3A_1297] : memref<1024xi32, #tpu.memory_space<vmem>>, vector<1024xi32>
          tpu.vector_store %arg10[%swap3A_1297], %reduce_min3A_1284 {strides = array<i32>} : memref<1024xi32, #tpu.memory_space<vmem>>, vector<1024xi32>,
        } else {
        }
        %eq3A_1290 = arith.constant 7 : i32
        %eq3A_1291 = arith.cmpi eq, %arg1, %eq3A_1290 : i32
        %convert_element_type3A_1292 = arith.extui %eq3A_1291 : i1 to i32
        %cond3A_1293 = arith.constant 0 : i32
        %cond3A_1294 = arith.cmpi ne, %convert_element_type3A_1292, %cond3A_1293 : i32
        scf.if %cond3A_1294 {
          %get3A_1295 = arith.constant 0 : index
          %get3A_1296 = vector.load %arg9[%get3A_1295] : memref<1024xf32, #tpu.memory_space<vmem>>, vector<1024xf32>
          %convert_element_type3A_1297 = arith.truncf %get3A_1296 : vector<1024xf32> to vector<1024xbf16>
          %convert_element_type3A_1298 = arith.extf %convert_element_type3A_1297 : vector<1024xbf16> to vector<1024xf32>
          %lt3A_1299 = arith.cmpf olt, %reduce_min3A_1277, %convert_element_type3A_1298 : vector<1024xf32>
          %get3A_1300 = arith.constant 0 : index
          %get3A_1301 = vector.load %arg10[%get3A_1300] : memref<1024xi32, #tpu.memory_space<vmem>>, vector<1024xi32>
          %select_n3A_1302 = arith.select %lt3A_1299, %reduce_min3A_1284, %get3A_1301 : vector<1024xi1>, vector<1024xi32>
          %swap3A_1303 = arith.constant 0 : index
          %swap3A_1304 = arith.constant 0 : index
          %swap3A_1305 = arith.constant 0 : index
          %swap3A_1306 = vector.load %arg4[%swap3A_1303, %swap3A_1304, %swap3A_1305] : memref<1x1x1024xi32, #tpu.memory_space<vmem>>, vector<1x1x1024xi32>
          %swap3A_1307 = vector.shape_cast %swap3A_1306 : vector<1x1x1024xi32> to vector<1024xi32>
          %swap3A_1308 = vector.shape_cast %select_n3A_1302 : vector<1024xi32> to vector<1x1x1024xi32>
          tpu.vector_store %arg4[%swap3A_1303, %swap3A_1304, %swap3A_1305], %swap3A_1308 {strides = array<i32>} : memref<1x1x1024xi32, #tpu.memory_space<vmem>>, vector<1x1x1024xi32>,
          %swap3A_1309 = arith.constant 0 : index
          %swap3A_1310 = vector.load %arg13[%swap3A_1309] : memref<1024xi32, #tpu.memory_space<vmem>>, vector<1024xi32>
          tpu.vector_store %arg13[%swap3A_1309], %select_n3A_1302 {strides = array<i32>} : memref<1024xi32, #tpu.memory_space<vmem>>, vector<1024xi32>,
          %iota3A_1311 = tpu.iota {dimensions = array<i32: 1>} : vector<1024x1024xi32>
          %broadcast_in_dim3A_1312 = vector.shape_cast %select_n3A_1302 : vector<1024xi32> to vector<1024x1xi32>
          %add3A_1313 = arith.constant 7168 : i32
          %add3A_1314 = vector.broadcast %add3A_1313 : i32 to vector<1024x1024xi32>
          %add3A_1315 = arith.addi %iota3A_1311, %add3A_1314 : vector<1024x1024xi32>
          %eq3A_1316 = vector.broadcast %broadcast_in_dim3A_1312 : vector<1024x1xi32> to vector<1024x1024xi32>
          %eq3A_1317 = arith.cmpi eq, %eq3A_1316, %add3A_1315 : vector<1024x1024xi32>
          %convert_element_type3A_1318 = arith.extui %eq3A_1317 : vector<1024x1024xi1> to vector<1024x1024xi32>
          %convert_element_type3A_1319 = arith.sitofp %convert_element_type3A_1318 : vector<1024x1024xi32> to vector<1024x1024xf32>
          %swap3A_1320 = arith.constant 0 : index
          %swap3A_1321 = arith.constant 0 : index
          %swap3A_1322 = vector.load %arg5[%swap3A_1320, %swap3A_1321] : memref<1024x1024xf32, #tpu.memory_space<vmem>>, vector<1024x1024xf32>
          tpu.vector_store %arg5[%swap3A_1320, %swap3A_1321], %convert_element_type3A_1319 {strides = array<i32>} : memref<1024x1024xf32, #tpu.memory_space<vmem>>, vector<1024x1024xf32>,
          %reduce_sum3A = arith.constant dense<0.000000e+00> : vector<1024xf32>
          %reduce_sum3A_1323 = vector.multi_reduction <add>, %convert_element_type3A_1319, %reduce_sum3A [0] : vector<1024x1024xf32> to vector<1024xf32>
          %eq3A_1324 = arith.constant 0 : i32
          %eq3A_1325 = arith.cmpi eq, %arg0, %eq3A_1324 : i32
          %convert_element_type3A_1326 = arith.extui %eq3A_1325 : i1 to i32
          %cond3A_1327 = arith.constant 0 : i32
          %cond3A_1328 = arith.cmpi ne, %convert_element_type3A_1326, %cond3A_1327 : i32
          scf.if %cond3A_1328 {
            %swap3A_1333 = arith.constant 7 : index
            %swap3A_1334 = arith.constant 0 : index
            %swap3A_1335 = vector.load %arg6[%swap3A_1333, %swap3A_1334] : memref<8x1024xf32, #tpu.memory_space<vmem>>, vector<1x1024xf32>
            %swap3A_1336 = vector.shape_cast %swap3A_1335 : vector<1x1024xf32> to vector<1024xf32>
            %swap3A_1337 = vector.shape_cast %reduce_sum3A_1323 : vector<1024xf32> to vector<1x1024xf32>
            tpu.vector_store %arg6[%swap3A_1333, %swap3A_1334], %swap3A_1337 {strides = array<i32>} : memref<8x1024xf32, #tpu.memory_space<vmem>>, vector<1x1024xf32>,
          } else {
          }
          %gt3A = arith.constant 0 : i32
          %gt3A_1329 = arith.cmpi sgt, %arg0, %gt3A : i32
          %convert_element_type3A_1330 = arith.extui %gt3A_1329 : i1 to i32
          %cond3A_1331 = arith.constant 0 : i32
          %cond3A_1332 = arith.cmpi ne, %convert_element_type3A_1330, %cond3A_1331 : i32
          scf.if %cond3A_1332 {
            %get3A_1333 = arith.constant 7 : index
            %get3A_1334 = arith.constant 0 : index
            %get3A_1335 = vector.load %arg6[%get3A_1333, %get3A_1334] : memref<8x1024xf32, #tpu.memory_space<vmem>>, vector<1x1024xf32>
            %get3A_1336 = vector.shape_cast %get3A_1335 : vector<1x1024xf32> to vector<1024xf32>
            %add3A_1337 = arith.addf %get3A_1336, %reduce_sum3A_1323 : vector<1024xf32>
            %swap3A_1338 = arith.constant 7 : index
            %swap3A_1339 = arith.constant 0 : index
            %swap3A_1340 = vector.load %arg6[%swap3A_1338, %swap3A_1339] : memref<8x1024xf32, #tpu.memory_space<vmem>>, vector<1x1024xf32>
            %swap3A_1341 = vector.shape_cast %swap3A_1340 : vector<1x1024xf32> to vector<1024xf32>
            %swap3A_1342 = vector.shape_cast %add3A_1337 : vector<1024xf32> to vector<1x1024xf32>
            tpu.vector_store %arg6[%swap3A_1338, %swap3A_1339], %swap3A_1342 {strides = array<i32>} : memref<8x1024xf32, #tpu.memory_space<vmem>>, vector<1x1024xf32>,
          } else {
          }
        } else {
        }
      } else {
      }
    } else {
    }
    %ge3A = arith.constant 8 : i32
    %ge3A_20 = arith.cmpi sge, %arg1, %ge3A : i32
    %convert_element_type3A_21 = arith.extui %ge3A_20 : i1 to i32
    %cond3A_22 = arith.constant 0 : i32
    %cond3A_23 = arith.cmpi ne, %convert_element_type3A_21, %cond3A_22 : i32
    scf.if %cond3A_23 {
      %get3A_24 = arith.constant 0 : index
      %get3A_25 = vector.load %arg13[%get3A_24] : memref<1024xi32, #tpu.memory_space<vmem>>, vector<1024xi32>
      %iota3A = tpu.iota {dimensions = array<i32: 1>} : vector<1024x1024xi32>
      %broadcast_in_dim3A = vector.shape_cast %get3A_25 : vector<1024xi32> to vector<1024x1xi32>
      %mul3A = arith.constant 1024 : i32
      %mul3A_26 = arith.muli %rem3A_0, %mul3A : i32
      %add3A = vector.broadcast %mul3A_26 : i32 to vector<1024x1024xi32>
      %add3A_27 = arith.addi %iota3A, %add3A : vector<1024x1024xi32>
      %eq3A_28 = vector.broadcast %broadcast_in_dim3A : vector<1024x1xi32> to vector<1024x1024xi32>
      %eq3A_29 = arith.cmpi eq, %eq3A_28, %add3A_27 : vector<1024x1024xi32>
      %convert_element_type3A_30 = arith.extui %eq3A_29 : vector<1024x1024xi1> to vector<1024x1024xi32>
      %convert_element_type3A_31 = arith.sitofp %convert_element_type3A_30 : vector<1024x1024xi32> to vector<1024x1024xf32>
      %swap3A = arith.constant 0 : index
      %swap3A_32 = arith.constant 0 : index
      %swap3A_33 = vector.load %arg5[%swap3A, %swap3A_32] : memref<1024x1024xf32, #tpu.memory_space<vmem>>, vector<1024x1024xf32>
      tpu.vector_store %arg5[%swap3A, %swap3A_32], %convert_element_type3A_31 {strides = array<i32>} : memref<1024x1024xf32, #tpu.memory_space<vmem>>, vector<1024x1024xf32>,
      %reduce_sum3A = arith.constant dense<0.000000e+00> : vector<1024xf32>
      %reduce_sum3A_34 = vector.multi_reduction <add>, %convert_element_type3A_31, %reduce_sum3A [0] : vector<1024x1024xf32> to vector<1024xf32>
      %eq3A_35 = arith.constant 0 : i32
      %eq3A_36 = arith.cmpi eq, %arg0, %eq3A_35 : i32
      %convert_element_type3A_37 = arith.extui %eq3A_36 : i1 to i32
      %cond3A_38 = arith.constant 0 : i32
      %cond3A_39 = arith.cmpi ne, %convert_element_type3A_37, %cond3A_38 : i32
      scf.if %cond3A_39 {
        %swap3A_44 = arith.index_cast %rem3A_0 : i32 to index
        %swap3A_45 = arith.constant 0 : index
        %swap3A_46 = vector.load %arg6[%swap3A_44, %swap3A_45] : memref<8x1024xf32, #tpu.memory_space<vmem>>, vector<1x1024xf32>
        %swap3A_47 = vector.shape_cast %swap3A_46 : vector<1x1024xf32> to vector<1024xf32>
        %swap3A_48 = vector.shape_cast %reduce_sum3A_34 : vector<1024xf32> to vector<1x1024xf32>
        tpu.vector_store %arg6[%swap3A_44, %swap3A_45], %swap3A_48 {strides = array<i32>} : memref<8x1024xf32, #tpu.memory_space<vmem>>, vector<1x1024xf32>,
      } else {
      }
      %gt3A = arith.constant 0 : i32
      %gt3A_40 = arith.cmpi sgt, %arg0, %gt3A : i32
      %convert_element_type3A_41 = arith.extui %gt3A_40 : i1 to i32
      %cond3A_42 = arith.constant 0 : i32
      %cond3A_43 = arith.cmpi ne, %convert_element_type3A_41, %cond3A_42 : i32
      scf.if %cond3A_43 {
        %get3A_44 = arith.index_cast %rem3A_0 : i32 to index
        %get3A_45 = arith.constant 0 : index
        %get3A_46 = vector.load %arg6[%get3A_44, %get3A_45] : memref<8x1024xf32, #tpu.memory_space<vmem>>, vector<1x1024xf32>
        %get3A_47 = vector.shape_cast %get3A_46 : vector<1x1024xf32> to vector<1024xf32>
        %add3A_48 = arith.addf %get3A_47, %reduce_sum3A_34 : vector<1024xf32>
        %swap3A_49 = arith.index_cast %rem3A_0 : i32 to index
        %swap3A_50 = arith.constant 0 : index
        %swap3A_51 = vector.load %arg6[%swap3A_49, %swap3A_50] : memref<8x1024xf32, #tpu.memory_space<vmem>>, vector<1x1024xf32>
        %swap3A_52 = vector.shape_cast %swap3A_51 : vector<1x1024xf32> to vector<1024xf32>
        %swap3A_53 = vector.shape_cast %add3A_48 : vector<1024xf32> to vector<1x1024xf32>
        tpu.vector_store %arg6[%swap3A_49, %swap3A_50], %swap3A_53 {strides = array<i32>} : memref<8x1024xf32, #tpu.memory_space<vmem>>, vector<1x1024xf32>,
      } else {
      }
    } else {
    }
    return
  }
  func.func @transform_0(%arg0: i32, %arg1: i32) -> (i32, i32, i32) {
    %c0_i32 = arith.constant 0 : i32
    %c0_i32_0 = arith.constant 0 : i32
    %c0_i32_1 = arith.constant 0 : i32
    return %arg0, %c0_i32, %c0_i32_0 : i32, i32, i32
  }
  func.func @transform_1(%arg0: i32, %arg1: i32) -> (i32, i32) {
    %c0_i32 = arith.constant 0 : i32
    %c0_i32_0 = arith.constant 0 : i32
    %c0_i32_1 = arith.constant 0 : i32
    return %c0_i32, %c0_i32_0 : i32, i32
  }
  func.func @transform_2(%arg0: i32, %arg1: i32) -> (i32, i32, i32) {
    %c0_i32 = arith.constant 0 : i32
    %c0_i32_0 = arith.constant 0 : i32
    %c0_i32_1 = arith.constant 0 : i32
    return %arg0, %c0_i32, %c0_i32_0 : i32, i32, i32
  }
  func.func @transform_3(%arg0: i32, %arg1: i32) -> (i32, i32) {
    %jit3A = arith.constant 8 : i32
    %div3A = arith.divsi %arg1, %jit3A : i32
    %sign3A = arith.constant 0 : i32
    %sign3A_0 = arith.cmpi sgt, %arg1, %sign3A : i32
    %sign3A_1 = arith.extui %sign3A_0 : i1 to i32
    %sign3A_2 = arith.constant 0 : i32
    %sign3A_3 = arith.cmpi slt, %arg1, %sign3A_2 : i32
    %sign3A_4 = arith.extui %sign3A_3 : i1 to i32
    %sign3A_5 = arith.subi %sign3A_1, %sign3A_4 : i32
    %sign3A_6 = arith.constant 0 : i32
    %sign3A_7 = arith.cmpi sgt, %jit3A, %sign3A_6 : i32
    %sign3A_8 = arith.extui %sign3A_7 : i1 to i32
    %sign3A_9 = arith.constant 0 : i32
    %sign3A_10 = arith.cmpi slt, %jit3A, %sign3A_9 : i32
    %sign3A_11 = arith.extui %sign3A_10 : i1 to i32
    %sign3A_12 = arith.subi %sign3A_8, %sign3A_11 : i32
    %ne3A = arith.cmpi ne, %sign3A_5, %sign3A_12 : i32
    %rem3A = arith.remsi %arg1, %jit3A : i32
    %ne3A_13 = arith.constant 0 : i32
    %ne3A_14 = arith.cmpi ne, %rem3A, %ne3A_13 : i32
    %and3A = arith.andi %ne3A, %ne3A_14 : i1
    %sub3A = arith.constant 1 : i32
    %sub3A_15 = arith.subi %div3A, %sub3A : i32
    %select_n3A = arith.select %and3A, %sub3A_15, %div3A : i32
    %sub3A_16 = arith.constant 8 : i32
    %sub3A_17 = arith.subi %arg1, %sub3A_16 : i32
    %mul3A = arith.muli %select_n3A, %sub3A_17 : i32
    %sub3A_18 = arith.constant 1 : i32
    %sub3A_19 = arith.subi %sub3A_18, %select_n3A : i32
    %mul3A_20 = arith.constant 7 : i32
    %mul3A_21 = arith.muli %sub3A_19, %mul3A_20 : i32
    %add3A = arith.addi %mul3A, %mul3A_21 : i32
    %c0_i32 = arith.constant 0 : i32
    return %arg0, %add3A : i32, i32
  }
  func.func @transform_4(%arg0: i32, %arg1: i32) -> (i32, i32) {
    %c0_i32 = arith.constant 0 : i32
    %c0_i32_0 = arith.constant 0 : i32
    %c0_i32_1 = arith.constant 0 : i32
    return %c0_i32, %c0_i32_0 : i32, i32
  }
}

module attributes {stable_mosaic.version = 14 : i64} {
  func.func @_final_body(%arg0: memref<8x1024x32xf32, #tpu.memory_space<vmem>>, %arg1: memref<8x1024x32xf32, #tpu.memory_space<vmem>>, %arg2: memref<8x1024xf32, #tpu.memory_space<vmem>>, %arg3: memref<8x1024x32xf32, #tpu.memory_space<vmem>>, %arg4: memref<1x1xf32, #tpu.memory_space<vmem>>, %arg5: memref<1x1xf32, #tpu.memory_space<vmem>>) attributes {dimension_semantics = [], scalar_prefetch = 0 : i64, scratch_operands = 0 : i64, tpu.core_type = #tpu.core_type<tc>} {
    %get3A = arith.constant 0 : index
    %get3A_0 = arith.constant 0 : index
    %get3A_1 = arith.constant 0 : index
    %get3A_2 = vector.load %arg0[%get3A, %get3A_0, %get3A_1] : memref<8x1024x32xf32, #tpu.memory_space<vmem>>, vector<8x1024x32xf32>
    %get3A_3 = arith.constant 0 : index
    %get3A_4 = arith.constant 0 : index
    %get3A_5 = arith.constant 0 : index
    %get3A_6 = vector.load %arg1[%get3A_3, %get3A_4, %get3A_5] : memref<8x1024x32xf32, #tpu.memory_space<vmem>>, vector<8x1024x32xf32>
    %sub3A = arith.subf %get3A_6, %get3A_2 : vector<8x1024x32xf32>
    %add3A = arith.addf %get3A_2, %sub3A : vector<8x1024x32xf32>
    %swap3A = arith.constant 0 : index
    %swap3A_7 = arith.constant 0 : index
    %swap3A_8 = arith.constant 0 : index
    %swap3A_9 = vector.load %arg3[%swap3A, %swap3A_7, %swap3A_8] : memref<8x1024x32xf32, #tpu.memory_space<vmem>>, vector<8x1024x32xf32>
    tpu.vector_store %arg3[%swap3A, %swap3A_7, %swap3A_8], %add3A {strides = array<i32>} : memref<8x1024x32xf32, #tpu.memory_space<vmem>>, vector<8x1024x32xf32>,
    %sub3A_10 = arith.subf %get3A_6, %get3A_2 : vector<8x1024x32xf32>
    %integer_pow3A = arith.mulf %sub3A_10, %sub3A_10 : vector<8x1024x32xf32>
    %reshape3A = vector.shape_cast %integer_pow3A : vector<8x1024x32xf32> to vector<8192x32xf32>
    %reduce_sum3A = vector.shape_cast %reshape3A : vector<8192x32xf32> to vector<1x8192x32xf32>
    %reduce_sum3A_11 = arith.constant dense<0.000000e+00> : vector<1xf32>
    %reduce_sum3A_12 = vector.multi_reduction <add>, %reduce_sum3A, %reduce_sum3A_11 [1, 2] : vector<1x8192x32xf32> to vector<1xf32>
    %reduce_sum3A_13 = vector.shape_cast %reduce_sum3A_12 : vector<1xf32> to vector<1x1x1xf32>
    %reduce_sum3A_14 = vector.extract %reduce_sum3A_13[0, 0, 0] : f32 from vector<1x1x1xf32>
    %broadcast_in_dim3A = vector.broadcast %reduce_sum3A_14 : f32 to vector<1x1xf32>
    %div3A = arith.constant 2.621440e+05 : f32
    %div3A_15 = vector.broadcast %div3A : f32 to vector<1x1xf32>
    %div3A_16 = arith.divf %broadcast_in_dim3A, %div3A_15 : vector<1x1xf32>
    %mul3A = arith.constant 2.500000e-01 : f32
    %mul3A_17 = vector.broadcast %mul3A : f32 to vector<1x1xf32>
    %mul3A_18 = arith.mulf %mul3A_17, %div3A_16 : vector<1x1xf32>
    %add3A_19 = arith.addf %div3A_16, %mul3A_18 : vector<1x1xf32>
    %swap3A_20 = arith.constant 0 : index
    %swap3A_21 = arith.constant 0 : index
    %swap3A_22 = vector.load %arg4[%swap3A_20, %swap3A_21] : memref<1x1xf32, #tpu.memory_space<vmem>>, vector<1x1xf32>
    tpu.vector_store %arg4[%swap3A_20, %swap3A_21], %add3A_19 {strides = array<i32>} : memref<1x1xf32, #tpu.memory_space<vmem>>, vector<1x1xf32>,
    %get3A_23 = arith.constant 0 : index
    %get3A_24 = arith.constant 0 : index
    %get3A_25 = vector.load %arg2[%get3A_23, %get3A_24] : memref<8x1024xf32, #tpu.memory_space<vmem>>, vector<8x1024xf32>
    %mul3A_26 = arith.constant 1.22070313E-4 : f32
    %mul3A_27 = vector.broadcast %mul3A_26 : f32 to vector<8x1024xf32>
    %mul3A_28 = arith.mulf %get3A_25, %mul3A_27 : vector<8x1024xf32>
    %add3A_29 = arith.constant 1.000000e-10 : f32
    %add3A_30 = vector.broadcast %add3A_29 : f32 to vector<8x1024xf32>
    %add3A_31 = arith.addf %mul3A_28, %add3A_30 : vector<8x1024xf32>
    %log3A = math.log %add3A_31 : vector<8x1024xf32>
    %mul3A_32 = arith.mulf %mul3A_28, %log3A : vector<8x1024xf32>
    %reduce_sum3A_33 = vector.shape_cast %mul3A_32 : vector<8x1024xf32> to vector<1x8x1024xf32>
    %reduce_sum3A_34 = arith.constant dense<0.000000e+00> : vector<1xf32>
    %reduce_sum3A_35 = vector.multi_reduction <add>, %reduce_sum3A_33, %reduce_sum3A_34 [1, 2] : vector<1x8x1024xf32> to vector<1xf32>
    %reduce_sum3A_36 = vector.shape_cast %reduce_sum3A_35 : vector<1xf32> to vector<1x1x1xf32>
    %reduce_sum3A_37 = vector.extract %reduce_sum3A_36[0, 0, 0] : f32 from vector<1x1x1xf32>
    %broadcast_in_dim3A_38 = vector.broadcast %reduce_sum3A_37 : f32 to vector<1x1xf32>
    %neg3A = arith.constant 0.000000e+00 : f32
    %neg3A_39 = vector.broadcast %neg3A : f32 to vector<1x1xf32>
    %neg3A_40 = arith.subf %neg3A_39, %broadcast_in_dim3A_38 : vector<1x1xf32>
    %exp3A = math.exp %neg3A_40 : vector<1x1xf32>
    %swap3A_41 = arith.constant 0 : index
    %swap3A_42 = arith.constant 0 : index
    %swap3A_43 = vector.load %arg5[%swap3A_41, %swap3A_42] : memref<1x1xf32, #tpu.memory_space<vmem>>, vector<1x1xf32>
    tpu.vector_store %arg5[%swap3A_41, %swap3A_42], %exp3A {strides = array<i32>} : memref<1x1xf32, #tpu.memory_space<vmem>>, vector<1x1xf32>,
    return
  }
}

</mosaic_0001>

<sc_bundles>
// kernel: kernel.5.cloned.1.call-start
scs
__scs_entry_jumppad:
0x0: {  	(pc) =	sbr.rel $0x88, $3  }
0x1: {  	(tag) =	ssettag $0x0;
	lr =	simm.s32 $0x1  }
0x2: {  	[smem:$0x3F9F] =	sst lr;
	_ =	strace $0xD0000000  }
0x3: {  	_ = 	snop  }
0x4: {  	_ = 	snop  }
0x5: {  	_ = 	snop  }
0x6: {  	_ = 	snop  }
0x7: {  	_ = 	snop  }
__scs_overlays_trampoline_lowered:
0x8: {  	[smem:$0x3FAE] =	sst s0  }
0x9: {  	[smem:$0x3FAF] =	sst s1  }
0xa: {  	[smem:$0x3FB0] =	sst s2  }
0xb: {  	[smem:$0x3FB1] =	sst s3  }
0xc: {  	[smem:$0x3FB2] =	sst s4  }
0xd: {  	[smem:$0x3FB3] =	sst s5  }
0xe: {  	[smem:$0x3FB4] =	sst s6  }
0xf: {  	[smem:$0x3FB5] =	sst s7  }
0x10: {  	[smem:$0x3FB6] =	sst s8  }
0x11: {  	[smem:$0x3FB7] =	sst s9;
	s0 =	simm.s32 @!p0 $0x0  }
0x12: {  	s1 =	sld [smem:$0x3F9D];
	s0 =	simm.s32 @p0 $0x1  }
0x13: {  	[smem:$0x3FB8] =	sst s0;
	s0 =	simm.s32 @!p1 $0x0  }
0x14: {  	s2 =	sld [smem:$0x3F9C];
	s0 =	simm.s32 @p1 $0x1  }
0x15: {  	[smem:$0x3FB9] =	sst s0;
	s0 =	simm.s32 @!p2 $0x0  }
0x16: {  	s3 =	sld [smem:$0x3FDB];
	s0 =	simm.s32 @p2 $0x1  }
0x17: {  	s4 =	simm.s32 $0x1BF5;
	[smem:$0x3FBB] =	sst s0  }
0x18: {  	s0 =	sld [smem:$0x3F9E];
	_ =	swait.ge [sflag:s4], $0x0  }
0x19: {  	s7 =	sld [smem:$0x3F9F]  }
0x1a: {  	s8 =	sadd.s32 $0xFFFFE003, lr  }
0x1b: {  	s9 =	sadd.s32 $0xFFFFFEF7, lr;
	s5 =	simm.s32 $0xFFFFFFFF;
	p2 =	slt.u32 s8, $0xFFFFF086  }
0x1c: {  	p1 =	slt.u32 s9, $0xF7A;
	s5 =	simm.s32 @!p2 $0x0  }
0x1d: {  	s5 =	simm.s32 @p1 $0x1;
	p0 =	seq.s32 s7, s2  }
0x1e: {  	s7 =	smul.u32 @!p0 $0xF7A, s2;
	p2 =	seq.s32 @!p0 s5, $0x0  }
0x1f: {  	s9 =	smul.u32 $0xF7A, s1;
	s8 =	simm.s32 @!p0 $0x1BF5;
	p2 =	por !p2, p0  }
0x20: {  	[sflag:s8] =	ssyncset.s32 @!p0 $0xFFFFF086;
	s6 =	sadd.s32 @!p0 s3, s7;
	s7 =	simm.s32 @!p0 $0x108  }
0x21: {  	s3 =	sadd.s32 s3, s9;
	s6 =	sadd.s32 @!p0 $0x88, s6;
	s7 =	simm.s32 @p2 $0x1082  }
0x22: {  	[simem:s7], [sflag:s8] =	dma.local @!p0 [hbm:s6], $0xF7A  }
0x23: {  	s9 =	sor.u32 $0xD0000000, s2;
	s6 =	simm.s32 $0x108;
	_ =	swait.ge @!p0 [sflag:s8], $0x0  }
0x24: {  	s3 =	sadd.s32 $0x88, s3;
	s6 =	simm.s32 @!p1 $0x1082;
	[sflag:s4] =	ssyncset.s32 $0xFFFFF086  }
0x25: {  	[simem:s6], [sflag:s4] =	dma.local [hbm:s3], $0xF7A  }
0x26: {  	[smem:$0x3F9F] =	sst s1;
	(tag) =	ssettag s2;
	_ =	strace s9  }
0x27: {  	s1 =	sld [smem:$0x3FAF]  }
0x28: {  	s2 =	sld [smem:$0x3FB0]  }
0x29: {  	s4 =	sld [smem:$0x3FB2]  }
0x2a: {  	p0 =	seq.s32 s5, $0x0;
	s5 =	sld [smem:$0x3FB3]  }
0x2b: {  	s6 =	sld [smem:$0x3FB4]  }
0x2c: {  	s7 =	sld [smem:$0x3FB5]  }
0x2d: {  	s3 =	simm.s32 $0x108;
	s8 =	sld [smem:$0x3FB6]  }
0x2e: {  	s3 =	simm.s32 @!p0 $0x1082;
	s9 =	sld [smem:$0x3FB7]  }
0x2f: {  	lr =	sadd.s32 s0, s3;
	s0 =	sld [smem:$0x3FAE]  }
0x30: {  	s3 =	sld [smem:$0x3FB1]  }
0x31: {  	[smem:$0x3FBA] =	sst s10  }
0x32: {  	s10 =	sld [smem:$0x3FB8];
	_ =	sdelay $0x3  }
0x33: {  	p0 =	seq.s32 s10, $0x1;
	s10 =	sld [smem:$0x3FBA];
	_ =	sdelay $0x3  }
0x34: {  	[smem:$0x3FBA] =	sst s10  }
0x35: {  	s10 =	sld [smem:$0x3FB9];
	_ =	sdelay $0x3  }
0x36: {  	p1 =	seq.s32 s10, $0x1;
	s10 =	sld [smem:$0x3FBA];
	_ =	sdelay $0x3  }
0x37: {  	[smem:$0x3FBA] =	sst s10  }
0x38: {  	s10 =	sld [smem:$0x3FBB]  }
0x39: {  	_ = 	snop;
	(pc) =	sbr.ind lr, $3  }
0x3a: {  	_ = 	snop  }
0x3b: {  	_ = 	snop  }
0x3c: {  	p2 =	seq.s32 s10, $0x1;
	s10 =	sld [smem:$0x3FBA]  }
0x3d: {  	_ =	shalt  }
0x3e: {  	_ =	shalt  }
0x3f: {  	_ =	shalt  }
0x40: {  	_ =	shalt  }
0x41: {  	_ =	shalt  }
0x42: {  	_ =	shalt  }
0x43: {  	_ =	shalt  }
0x44: {  	_ =	shalt  }
0x45: {  	_ =	shalt  }
0x46: {  	_ =	shalt  }
0x47: {  	_ =	shalt  }
0x48: {  	_ =	shalt  }
0x49: {  	_ =	shalt  }
0x4a: {  	_ =	shalt  }
0x4b: {  	_ =	shalt  }
0x4c: {  	_ =	shalt  }
0x4d: {  	_ =	shalt  }
0x4e: {  	_ =	shalt  }
0x4f: {  	_ =	shalt  }
0x50: {  	_ =	shalt  }
0x51: {  	_ =	shalt  }
0x52: {  	_ =	shalt  }
0x53: {  	_ =	shalt  }
0x54: {  	_ =	shalt  }
0x55: {  	_ =	shalt  }
0x56: {  	_ =	shalt  }
0x57: {  	_ =	shalt  }
0x58: {  	_ =	shalt  }
0x59: {  	_ =	shalt  }
0x5a: {  	_ =	shalt  }
0x5b: {  	_ =	shalt  }
0x5c: {  	_ =	shalt  }
0x5d: {  	_ =	shalt  }
0x5e: {  	_ =	shalt  }
0x5f: {  	_ =	shalt  }
0x60: {  	_ =	shalt  }
0x61: {  	_ =	shalt  }
0x62: {  	_ =	shalt  }
0x63: {  	_ =	shalt  }
0x64: {  	_ =	shalt  }
0x65: {  	_ =	shalt  }
0x66: {  	_ =	shalt  }
0x67: {  	_ =	shalt  }
0x68: {  	_ =	shalt  }
0x69: {  	_ =	shalt  }
0x6a: {  	_ =	shalt  }
0x6b: {  	_ =	shalt  }
0x6c: {  	_ =	shalt  }
0x6d: {  	_ =	shalt  }
0x6e: {  	_ =	shalt  }
0x6f: {  	_ =	shalt  }
0x70: {  	_ =	shalt  }
0x71: {  	_ =	shalt  }
0x72: {  	_ =	shalt  }
0x73: {  	_ =	shalt  }
0x74: {  	_ =	shalt  }
0x75: {  	_ =	shalt  }
0x76: {  	_ =	shalt  }
0x77: {  	_ =	shalt  }
0x78: {  	_ =	shalt  }
0x79: {  	_ =	shalt  }
0x7a: {  	_ =	shalt  }
0x7b: {  	_ =	shalt  }
0x7c: {  	_ =	shalt  }
0x7d: {  	_ =	shalt  }
0x7e: {  	_ =	shalt  }
0x7f: {  	_ =	shalt  }
0x80: {  	_ =	shalt  }
0x81: {  	_ =	shalt  }
0x82: {  	_ =	shalt  }
0x83: {  	_ =	shalt  }
0x84: {  	_ =	shalt  }
0x85: {  	_ =	shalt  }
0x86: {  	_ =	shalt  }
0x87: {  	_ =	shalt  }
.Lfunc_end0:
.L_simem_size_0:
called_computation_lowered:
.L_overlay_start_0:
0x88: {  	s2 =	sld [smem:$0x3FD9]  }
0x89: {  	s3 =	sld [smem:$0x3FFE];
	_ =	sdelay $0x1  }
0x8a: {  	s1 =	srdreg.scid  }
0x8b: {  	s0 =	sand.u32 $0x1, s1  }
0x8c: {  	s14 =	sshll.u32 s0, $0xA;
	s2 =	sadd.s32 s3, s2  }
0x8d: {  	s2 =	sadd.s32 s2, s14  }
0x8e: {  	[smem:$0x3FC6] =	sst s2  }
0x8f: {  	_ = 	snop  }
0x90: {  	s2 =	sld [smem:$0x3FD0];
	_ =	sdelay $0x2  }
0x91: {  	s15 =	simm.s32 $0xA;
	s4 =	simm.s32 $0x10  }
0x92: {  	[smem:s4], [sflag:s15] =	dma.local [hbm:s2], $0x1  }
0x93: {  	_ =	swait.eq [sflag:s15], $0x1  }
0x94: {  	[sflag:s15] =	ssyncset.done $0x0  }
0x95: {  	[sflag:s15] =	ssyncadd.s32 $0xFFFFFFFF  }
0x96: {  	s16 =	sld [smem:$0x14];
	(tm) =	ssettm $0x1  }
0x97: {  	s17 =	sld [smem:$0x3FFB];
	_ =	sdelay $0x3  }
0x98: {  	_ =	strace s17  }
0x99: {  	s3 =	sld [smem:$0x3FFC];
	_ =	sdelay $0x3  }
0x9a: {  	_ =	strace s3  }
0x9b: {  	s3 =	sld [smem:$0x3FFD];
	_ =	sdelay $0x3  }
0x9c: {  	_ =	strace s3  }
0x9d: {  	_ =	strace $0x8FFFFFFF  }
0x9e: {  	s18 =	sld [smem:$0x3FDB];
	_ =	sdelay $0x1  }
0x9f: {  	s19 =	simm.s32 $_scs_section_size  }
0xa0: {  	s5 =	simm.s32 $_size__tile_overlayer_lowered;
	s6 =	simm.s32 $_tile_overlayer_lowered  }
0xa1: {  	s22 =	simm.s32 $0x1BFF;
	s21 =	sshll.u32 s6, $0x1;
	s3 =	sadd.s32 s19, s18  }
0xa2: {  	s7 =	simm.s32 $0x0;
	s20 =	sshll.u32 s5, $0x1;
	s5 =	sadd.s32 s21, s3  }
0xa3: {  	[timem:s7], [sflag:s22] =	dma.local [hbm:s5], s20  }
0xa4: {  	_ =	swait.ge [sflag:s22], s20  }
0xa5: {  	s4 =	ssub.s32 $0x0, s20;
	[sflag:s22] =	ssyncset.done $0x0  }
0xa6: {  	[sflag:s22] =	ssyncadd.s32 s4;
	_ =	sdelay $0x1  }
0xa7: {  	s23 =	simm.s32 $0x1B8B  }
0xa8: {  	_ =	swait.ge [sflag:s23], $0x1  }
0xa9: {  	[sflag:s23] =	ssyncset.done $0x0  }
0xaa: {  	s25 =	simm.s32 $0x1B8E;
	s24 =	sld [smem:$0x3FFE];
	[sflag:s23] =	ssyncadd.s32 $0xFFFFFFFF  }
0xab: {  	s26 =	simm.s32 $execute0_lowered;
	[smem:$0x3FD2] =	sst s25  }
0xac: {  	s5 =	sshll.u32 s26, $0x1;
	_ =	strace $0x80000046;
	[dreg:$0x1] =	wrdreg $0xFFFFFFFF  }
0xad: {  	s28 =	simm.s32 $_size_execute0_lowered;
	s3 =	sadd.s32 s3, s5;
	[dreg:$0x0] =	wrdreg $0x0  }
0xae: {  	s5 =	sshll.u32 s28, $0x1;
	[dreg:$0x2] =	wrdreg s3  }
0xaf: {  	[dreg:$0x3] =	wrdreg s5  }
0xb0: {  	[dreg:$0x4] =	wrdreg $0xC0  }
0xb1: {  	_ =	task [dreg:s7], $0x5FFFF  }
0xb2: {  	[dreg:$0x1] =	wrdreg $0xFFFFFFFF  }
0xb3: {  	[dreg:$0x0] =	wrdreg $0x60  }
0xb4: {  	[dreg:$0x2] =	wrdreg s24  }
0xb5: {  	[dreg:$0x3] =	wrdreg s16  }
0xb6: {  	[dreg:$0x4] =	wrdreg $0x9  }
0xb7: {  	_ =	task.clear_ibuf [dreg:s7], $0x5FFFF;
	_ =	strace $0x90000046  }
0xb8: {  	s29 =	simm.s32 $0x9;
	_ =	strace $0x80000048  }
0xb9: {  	_ =	swait.ge [sflag:s29], $0x1  }
0xba: {  	[sflag:s29] =	ssyncadd.s32 $0xFFFFFFFF  }
0xbb: {  	_ =	strace $0x90000048  }
0xbc: {  	_ =	sfence  }
0xbd: {  	s30 =	sld [smem:$0x0];
	_ =	sdelay $0x2  }
0xbe: {  	s31 =	sshll.u32 s1, $0xD;
	s1 =	sshrl.u32 s1, $0x2  }
0xbf: {  	s3 =	sand.u32 $0x4000, s31;
	s1 =	sadd.s32 s1, s30  }
0xc0: {  	s0 =	sor.u32 s3, s0;
	s1 =	sshll.u32 s1, $0x11  }
0xc1: {  	s0 =	sor.u32 s1, s0  }
0xc2: {  	s0 =	sadd.s32 $0x8F2B, s0  }
0xc3: {  	[sflag:s0] =	ssyncadd.remote.s32 $0x1  }
0xc4: {  	_ =	sfence.sel $0xFFFF  }
0xc5: {  	[dreg:$0x0] =	wrdreg $0xFFFFFFFF;
	(pc) =	sbr.abs _section_cstart, $3  }
0xc6: {  	[dreg:$0x1] =	wrdreg $0xFFFFFFFF  }
0xc7: {  	_ =	task.clear_ibuf [dreg:s7], $0x2FFFF;
	_ =	strace $0x9FFFFFFF  }
0xc8: {  	(tm) =	ssettm $0x7FFFFFFF  }
0xc9: {  	_ =	shalt  }
tec
execute0_lowered:
.L_overlay_start_1:
0x0: {  	(tag) =	ssettag $0x1  }
0x1: {  	s1 =	srdreg.scid  }
0x2: {  	s8 =	rddreg [dreg:$0x0];
	s0 =	stileid.u32;
	s10 =	sand.u32 $0x1, s1  }
0x3: {  	s9 =	rddreg [dreg:$0x1];
	s3 =	sshll.u32 s0, $0x9;
	s4 =	sshll.u32 s10, $0x8  }
0x4: {  	s2 =	simm.s32 $0x0;
	s1 =	rddreg [dreg:$0x2];
	s11 =	sor.u32 s4, s3  }
0x5: {  	[smem:$0x7FF] =	sst s2;
	s3 =	sshrl.u32 s11, $0x3  }
0x6: {  	_ =	strace $0x80000047;
	s4 =	sadd.s32 s9, s3;
	s3 =	simm.s32 $0x2  }
0x7: {  	[tilespmem:s2], [sflag:$0x2] =	stream.linear.gather [hbm4b:s4+s2], $0x80, $0x38;
	[tilespmem:$0x4080] =	vst v63  }
0x8: {  	_ =	swait.ge [sflag:s3], $0x80  }
0x9: {  	s6 =	simm.s32 $0x80;
	[sflag:s3] =	ssyncset.done $0x0  }
0xa: {  	s7 =	simm.s32 $0x1;
	s5 =	sadd.s32 $0xC00, s8;
	[sflag:s3] =	ssyncadd.s32 $0xFFFFFF80  }
0xb: {  	[tilespmem:s6], [sflag:$0x1] =	stream.indirect.gather [hbm4b:s5+s6], $0x80, s2, s6, $0xb8;
	[tilespmem:$0x4080] =	vst v63  }
0xc: {  	_ =	swait.ge [sflag:s7], $0x4000  }
0xd: {  	s12 =	sadd.s32 $0x20C00, s8;
	s28 =	sshll.u32 s11, $0x4;
	[sflag:s7] =	ssyncset.done $0x0  }
0xe: {  	s8 =	sadd.s32 s12, s28;
	[sflag:s7] =	ssyncadd.s32 $0xFFFFC000  }
0xf: {  	[hbm4b:s8+s2] =	stream.linear.scatter [tilespmem:s6], [sflag:$0x2], $0x4000, $0x38;
	[tilespmem:$0x4080] =	vst v63  }
0x10: {  	s11 =	sor.u32 $0x80, s11;
	_ =	swait.ge [sflag:s3], $0x4000  }
0x11: {  	s13 =	sshrl.u32 s11, $0x3;
	[sflag:s3] =	ssyncset.done $0x0  }
0x12: {  	s10 =	ssub.s32 $0x2, s10;
	s9 =	sadd.s32 s9, s13;
	[sflag:s3] =	ssyncadd.s32 $0xFFFFC000  }
0x13: {  	[tilespmem:s2], [sflag:$0x2] =	stream.linear.gather [hbm4b:s9+s2], $0x80, $0x38;
	[tilespmem:$0x4080] =	vst v63  }
0x14: {  	s29 =	sshrl.u32 s10, $0x1;
	_ =	swait.ge [sflag:s3], $0x80  }
0x15: {  	s13 =	ssub.s32 s10, s29;
	[sflag:s3] =	ssyncset.done $0x0  }
0x16: {  	s31 =	smax.u32 s13, $0x1;
	[sflag:s3] =	ssyncadd.s32 $0xFFFFFF80  }
0x17: {  	[tilespmem:s6], [sflag:$0x1] =	stream.indirect.gather [hbm4b:s5+s6], $0x80, s2, s6, $0xb8;
	[tilespmem:$0x4080] =	vst v63  }
0x18: {  	p0 =	sne.s32 s31, $0x1;
	_ =	swait.ge [sflag:s7], $0x4000  }
.Ltmp0:
0x19: {  	s30 =	sshll.u32 s11, $0x4;
	[sflag:s7] =	ssyncset.done $0x0;
	(pc) =	sbr.rel @!p0 .LBB2_2-.Ltmp0, $4  }
0x1a: {  	s10 =	sadd.s32 s12, s30;
	[sflag:s7] =	ssyncadd.s32 $0xFFFFC000  }
0x1b: {  	[hbm4b:s10+s2] =	stream.linear.scatter [tilespmem:s6], [sflag:$0x2], $0x4000, $0x38;
	[tilespmem:$0x4080] =	vst v63  }
0x1c: {  	_ =	swait.ge [sflag:s3], $0x4000  }
0x1d: {  	s11 =	sadd.s32 $0xFFFFFFFF, s31;
	[sflag:s3] =	ssyncset.done $0x0  }
.LBB2_1:
0x1e: {  	p0 =	sne.s32 s11, $0x1;
	s11 =	sadd.s32 $0xFFFFFFFF, s11;
	[sflag:s3] =	ssyncadd.s32 $0xFFFFC000  }
0x1f: {  	[tilespmem:s2], [sflag:$0x2] =	stream.linear.gather [hbm4b:s4+s2], $0x80, $0x38;
	[tilespmem:$0x4080] =	vst v63  }
0x20: {  	_ =	swait.ge [sflag:s3], $0x80  }
0x21: {  	[sflag:s3] =	ssyncset.done $0x0  }
0x22: {  	[sflag:s3] =	ssyncadd.s32 $0xFFFFFF80  }
0x23: {  	[tilespmem:s6], [sflag:$0x1] =	stream.indirect.gather [hbm4b:s5+s6], $0x80, s2, s6, $0xb8;
	[tilespmem:$0x4080] =	vst v63  }
0x24: {  	_ =	swait.ge [sflag:s7], $0x4000  }
0x25: {  	[sflag:s7] =	ssyncset.done $0x0  }
0x26: {  	[sflag:s7] =	ssyncadd.s32 $0xFFFFC000  }
0x27: {  	[hbm4b:s8+s2] =	stream.linear.scatter [tilespmem:s6], [sflag:$0x2], $0x4000, $0x38;
	[tilespmem:$0x4080] =	vst v63  }
0x28: {  	_ =	swait.ge [sflag:s3], $0x4000  }
0x29: {  	[sflag:s3] =	ssyncset.done $0x0  }
0x2a: {  	[sflag:s3] =	ssyncadd.s32 $0xFFFFC000  }
0x2b: {  	[tilespmem:s2], [sflag:$0x2] =	stream.linear.gather [hbm4b:s9+s2], $0x80, $0x38;
	[tilespmem:$0x4080] =	vst v63  }
0x2c: {  	_ =	swait.ge [sflag:s3], $0x80  }
0x2d: {  	[sflag:s3] =	ssyncset.done $0x0  }
0x2e: {  	[sflag:s3] =	ssyncadd.s32 $0xFFFFFF80  }
0x2f: {  	[tilespmem:s6], [sflag:$0x1] =	stream.indirect.gather [hbm4b:s5+s6], $0x80, s2, s6, $0xb8;
	[tilespmem:$0x4080] =	vst v63  }
0x30: {  	_ =	swait.ge [sflag:s7], $0x4000  }
.Ltmp1:
0x31: {  	[sflag:s7] =	ssyncset.done $0x0;
	(pc) =	sbr.rel @p0 .LBB2_1-.Ltmp1, $4  }
0x32: {  	[sflag:s7] =	ssyncadd.s32 $0xFFFFC000  }
0x33: {  	[hbm4b:s10+s2] =	stream.linear.scatter [tilespmem:s6], [sflag:$0x2], $0x4000, $0x38;
	[tilespmem:$0x4080] =	vst v63  }
0x34: {  	_ =	swait.ge [sflag:s3], $0x4000  }
0x35: {  	[sflag:s3] =	ssyncset.done $0x0  }
.LBB2_2:
0x36: {  	[sflag:s3] =	ssyncadd.s32 $0xFFFFC000  }
0x37: {  	_ =	sfence.sel $0x180000  }
0x38: {  	[bflag:$0x0] =	sbarrier.arrive $0xFFFF  }
0x39: {  	p0 =	sne.s32 s0, $0x0;
	_ =	strace $0x90000047  }
0x3a: {  	s0 =	sadd.s32 @!p0 $0x100000, s1;
	[bflag:$0x2] =	sbarrier.arrive $0xFFFF  }
0x3b: {  	[sflag:s0] =	ssyncadd.tile.s32 @!p0 $0x1;
	_ =	shalt  }
.Lfunc_end2:
_tile_overlayer_lowered:
.L_overlay_start_2:
0x3c: {  	(tag) =	ssettag $0x2  }
0x3d: {  	s0 =	rddreg [dreg:$0x0];
	s2 =	stileid.u32  }
0x3e: {  	s1 =	rddreg [dreg:$0x1];
	p0 =	sne.s32 s2, $0x0  }
0x3f: {  	s3 =	rddreg [dreg:$0x2];
	[bflag:$0x3] =	sbarrier.arrive $0xFFFF;
	s2 =	simm.s32 @!p0 $0x1C02  }
0x40: {  	[timem:s3], [sflag:s2] =	dma.local @!p0 [hbm:s0], s1  }
0x41: {  	s0 =	simm.s32 @!p0 $0x2  }
0x42: {  	_ =	swait.ge @!p0 [sflag:s0], s1  }
0x43: {  	s1 =	ssub.s32 @!p0 $0x0, s1;
	[sflag:s0] =	ssyncset.done @!p0 $0x0  }
0x44: {  	[sflag:s0] =	ssyncadd.s32 @!p0 s1  }
0x45: {  	[bflag:$0x3] =	sbarrier.arrive $0xFFFF  }
0x46: {  	_ =	shalt  }

</sc_bundles>
